<compile_context>
chip_gen: v7x
topology: tpu7x:2x2x1
jax: 0.10.2.dev20260603
libtpu: 0.0.44.dev20260713+nightly
codegen_flags: <defaults>
</compile_context>

<pallas_src>
import jax
import jax.numpy as jnp
from jax import lax
from jax.experimental import pallas as pl
from jax.experimental.pallas import tpu as pltpu
from jax.experimental.pallas import tpu_sc as plsc

_B, _L, _D = 8, 576, 64
_K = 1024
_N = _B * _L
_TOK = 512
_NT = _N // _TOK
_DECAY = 0.99

_DP = 128
_NW = 16
_TPW = _N // _NW
_RPW = _K // _NW
_LG = _D // 16


def _tc_body(x_ref, cb_ref, c16_ref, idx_ref, cnew_ref, rc_ref, xp_ref,
             cacc_ref):
    t = pl.program_id(0)

    @pl.when(t == 0)
    def _():
        cacc_ref[...] = jnp.zeros_like(cacc_ref)

    cb = cb_ref[...]
    c2 = jnp.sum(cb * cb, axis=1)[None, :]
    ones16 = jnp.ones((_TOK, 16), jnp.float32)
    xt = x_ref[...]
    xc = lax.dot_general(xt, cb, (((1,), (1,)), ((), ())),
                         preferred_element_type=jnp.float32)
    d2 = -2.0 * xc + c2
    iota = lax.broadcasted_iota(jnp.int32, (_TOK, _K), 1)
    m = jnp.min(d2, axis=1, keepdims=True)
    idx = jnp.min(jnp.where(d2 == m, iota, _K), axis=1, keepdims=True)
    idx_ref[...] = idx
    e = (idx == iota).astype(jnp.float32)
    cacc_ref[...] += lax.dot_general(e, ones16, (((0,), (0,)), ((), ())),
                                     preferred_element_type=jnp.float32)
    xp_ref[...] = jnp.concatenate(
        [xt, jnp.zeros((_TOK, _DP - _D), jnp.float32)], axis=1)

    @pl.when(t == _NT - 1)
    def _():
        cnew = _DECAY * c16_ref[...] + (1.0 - _DECAY) * cacc_ref[...]
        cnew_ref[...] = cnew
        rc_ref[...] = 1.0 / cnew


def _sc_body(x_hbm, idx_hbm, ema_hbm, rc_hbm,
             q_hbm, emao_hbm, cbo_hbm, loss_hbm,
             xv, idxv, qv, ba, bb, bc, lsv, lossv, dw_sh, loss_sh, sem):
    wid = lax.axis_index("s")
    base = wid * _TPW
    rbase = wid * _RPW

    pltpu.sync_copy(x_hbm.at[pl.ds(base, _TPW)], xv)
    pltpu.sync_copy(idx_hbm.at[pl.ds(base, _TPW)], idxv)

    z = jnp.zeros((16,), jnp.float32)

    def zr(r, c):
        for g in range(_LG):
            ba[r, pl.ds(g * 16, 16)] = z
        return c

    lax.fori_loop(0, _RPW, zr, 0)
    pltpu.sync_copy(ba, dw_sh.at[pl.ds(rbase, _RPW)])
    plsc.subcore_barrier()

    pltpu.sync_copy(xv, dw_sh.at[idxv], add=True)
    plsc.subcore_barrier()

    pltpu.sync_copy(dw_sh.at[pl.ds(rbase, _RPW)], ba)
    pltpu.sync_copy(ema_hbm.at[pl.ds(rbase, _RPW)], bb)
    pltpu.sync_copy(rc_hbm.at[pl.ds(rbase, _RPW)], bc)

    def upd(r, c):
        rcv = bc[r, :]
        for g in range(_LG):
            sl = pl.ds(g * 16, 16)
            en = _DECAY * bb[r, sl] + (1.0 - _DECAY) * ba[r, sl]
            bb[r, sl] = en
            ba[r, sl] = en * rcv
        return c

    lax.fori_loop(0, _RPW, upd, 0)
    pltpu.sync_copy(bb, emao_hbm.at[pl.ds(rbase, _RPW)])
    pltpu.sync_copy(ba, cbo_hbm.at[pl.ds(rbase, _RPW)])
    pltpu.sync_copy(ba, dw_sh.at[pl.ds(rbase, _RPW)])
    plsc.subcore_barrier()

    pltpu.async_copy(dw_sh.at[idxv], qv, sem).wait()
    pltpu.sync_copy(qv, q_hbm.at[pl.ds(base, _TPW)])

    def lacc(t, acc):
        s = acc
        for g in range(_LG):
            sl = pl.ds(g * 16, 16)
            r = xv[t, sl] - qv[t, sl]
            s = s + r * r
        return s

    acc = lax.fori_loop(0, _TPW, lacc, jnp.zeros((16,), jnp.float32))
    lossv[pl.ds(0, 16)] = acc
    pltpu.sync_copy(lossv, loss_sh.at[wid])
    plsc.subcore_barrier()

    @pl.when(wid == 0)
    def _():
        pltpu.sync_copy(loss_sh, lsv)

        def fin(r, a):
            return a + lsv[r, pl.ds(0, 16)]

        tot16 = lax.fori_loop(0, _NW, fin, jnp.zeros((16,), jnp.float32))
        dnums = lax.GatherDimensionNumbers(
            offset_dims=(), collapsed_slice_dims=(0,), start_index_map=(0,))
        iota = lax.iota(jnp.int32, 16)
        for k in (8, 4, 2, 1):
            perm = lax.bitwise_xor(iota, jnp.full((16,), k, jnp.int32))
            shuf = lax.gather(tot16, perm[:, None], dnums, (1,),
                              mode=lax.GatherScatterMode.PROMISE_IN_BOUNDS)
            tot16 = tot16 + shuf
        lossv[pl.ds(0, 16)] = tot16 * (0.5 / (_N * _D))
        pltpu.sync_copy(lossv, loss_hbm)


_sc_kernel = pl.kernel(
    _sc_body,
    out_type=[
        jax.ShapeDtypeStruct((_N, _DP), jnp.float32),
        jax.ShapeDtypeStruct((_K, _D), jnp.float32),
        jax.ShapeDtypeStruct((_K, _DP), jnp.float32),
        jax.ShapeDtypeStruct((_DP,), jnp.float32),
    ],
    mesh=plsc.VectorSubcoreMesh(core_axis_name="c", subcore_axis_name="s",
                                num_cores=1),
    scratch_types=[
        pltpu.VMEM((_TPW, _DP), jnp.float32),
        pltpu.VMEM((_TPW,), jnp.int32),
        pltpu.VMEM((_TPW, _DP), jnp.float32),
        pltpu.VMEM((_RPW, _DP), jnp.float32),
        pltpu.VMEM((_RPW, _D), jnp.float32),
        pltpu.VMEM((_RPW, 16), jnp.float32),
        pltpu.VMEM((_NW, _DP), jnp.float32),
        pltpu.VMEM((_DP,), jnp.float32),
        pltpu.VMEM_SHARED((_K, _DP), jnp.float32),
        pltpu.VMEM_SHARED((_NW, _DP), jnp.float32),
        pltpu.SemaphoreType.DMA,
    ],
)


@jax.jit
def kernel(x, codebook, ema_weight, counts):
    xf = x.reshape(_N, _D)
    c16 = jnp.broadcast_to(counts.reshape(_K, 1), (_K, 16))
    idx2, cnew, rc, xp = pl.pallas_call(
        _tc_body,
        grid=(_NT,),
        in_specs=[
            pl.BlockSpec((_TOK, _D), lambda t: (t, 0)),
            pl.BlockSpec((_K, _D), lambda t: (0, 0)),
            pl.BlockSpec((_K, 16), lambda t: (0, 0)),
        ],
        out_specs=[
            pl.BlockSpec((_TOK, 1), lambda t: (t, 0)),
            pl.BlockSpec((_K, 16), lambda t: (0, 0)),
            pl.BlockSpec((_K, 16), lambda t: (0, 0)),
            pl.BlockSpec((_TOK, _DP), lambda t: (t, 0)),
        ],
        out_shape=[
            jax.ShapeDtypeStruct((_N, 1), jnp.int32),
            jax.ShapeDtypeStruct((_K, 16), jnp.float32),
            jax.ShapeDtypeStruct((_K, 16), jnp.float32),
            jax.ShapeDtypeStruct((_N, _DP), jnp.float32),
        ],
        scratch_shapes=[pltpu.VMEM((_K, 16), jnp.float32)],
    )(xf, codebook, c16)

    q, emao, cbo, lossv = _sc_kernel(xp, idx2.reshape(_N), ema_weight, rc)
    return (q[:, :_D].reshape(_B, _L, _D), lossv[0], idx2.reshape(_B, _L),
            cnew[:, 0], emao, cbo[:, :_D])

# --- scband reference (transcript-rebuilt; emitter-appended) ---
"""Pipeline reference for scband-vqmoving-avg-7275674599498 (READ-ONLY COPY).

The authoritative reference and input builder live on the scoring server;
editing this copy changes nothing except your own understanding.
"""

import jax, jax.numpy as jnp
import numpy as np

B, L, D = 8, 576, 64
K = 1024  # codebook_size
DECAY = 0.99


def _variance_scaling_uniform(key, shape):
    # flax variance_scaling(scale=1.0, mode='fan_in', distribution='uniform')
    fan_in = shape[-2] if len(shape) > 1 else shape[-1]
    limit = np.sqrt(3.0 / fan_in)
    return jax.random.uniform(key, shape, jnp.float32, minval=-limit, maxval=limit)


def setup_inputs(seed: int = 0) -> dict:
    key = jax.random.key(seed)
    k1, k2, k3 = jax.random.split(key, 3)
    x = jax.random.normal(k1, (B, L, D), dtype=jnp.float32)
    codebook = _variance_scaling_uniform(k2, (K, D))
    ema_weight = _variance_scaling_uniform(k3, (K, D))
    counts = jnp.ones((K,), dtype=jnp.float32)
    return {"x": x, "codebook": codebook, "ema_weight": ema_weight, "counts": counts}


def _cdist(x, cb):
    # Mathematically identical to jnp.linalg.norm(x[:, :, None, :] - cb[None, None, :, :], axis=-1)
    # but avoids materializing the [B, L, K, D] broadcast tensor (1.2 GB).
    x2 = jnp.sum(x * x, axis=-1, keepdims=True)            # [B, L, 1]
    c2 = jnp.sum(cb * cb, axis=-1)                          # [K]
    xc = jnp.einsum('bld,nd->bln', x, cb)                   # [B, L, K]
    d2 = x2 - 2.0 * xc + c2[None, None, :]
    return jnp.sqrt(jnp.maximum(d2, 0.0))


def reference(x, codebook, ema_weight, counts):
    # VQMovingAvg.__call__ with train=True
    distances = _cdist(x, codebook)                         # [B, L, K]
    indices = jnp.argmin(distances, axis=-1)                # [B, L]
    encodings = jax.nn.one_hot(indices, K, dtype=jnp.float32)  # [B, L, K]

    # EMA statistics updates (vq_stats variables)
    counts_new = DECAY * counts + (1.0 - DECAY) * jnp.sum(encodings, axis=(0, 1))
    dw = jnp.einsum('bln,bld->nd', encodings, x)            # scatter-accumulate
    ema_new = DECAY * ema_weight + (1.0 - DECAY) * dw
    codebook_new = ema_new / counts_new[:, None]

    # vector_quantization: jp.dot(encodings, codebook)  (gather via one-hot matmul)
    quantized = jnp.einsum('bln,nd->bld', encodings, codebook_new)
    quantized = x + jax.lax.stop_gradient(quantized - x)    # straight-through

    # optax.l2_loss(x, quantized).mean() == mean(0.5 * (x - quantized)**2)
    codebook_loss = jnp.mean(0.5 * jnp.square(x - quantized))

    return (quantized, codebook_loss, indices, counts_new, ema_new, codebook_new)

if __name__ == "__main__":
    import jax
    _d = setup_inputs()
    print(jax.jit(kernel)(*tuple(_d.values())))

</pallas_src>

<mosaic_0001>
#map = affine_map<(d0, d1) -> (0, 0)>
#map1 = affine_map<(d0, d1) -> (0)>
module attributes {stable_mosaic.version = 14 : i64} {
  func.func @_sc_body(%arg0: i32, %arg1: i32, %arg2: memref<4608x128xf32, #tpu.memory_space<hbm>>, %arg3: memref<4608xi32, #tpu.memory_space<hbm>>, %arg4: memref<1024x64xf32, #tpu.memory_space<hbm>>, %arg5: memref<1024x16xf32, #tpu.memory_space<hbm>>, %arg6: memref<4608x128xf32, #tpu.memory_space<hbm>>, %arg7: memref<1024x64xf32, #tpu.memory_space<hbm>>, %arg8: memref<1024x128xf32, #tpu.memory_space<hbm>>, %arg9: memref<128xf32, #tpu.memory_space<hbm>>, %arg10: memref<288x128xf32, #tpu.memory_space<vmem>>, %arg11: memref<288xi32, #tpu.memory_space<vmem>>, %arg12: memref<288x128xf32, #tpu.memory_space<vmem>>, %arg13: memref<64x128xf32, #tpu.memory_space<vmem>>, %arg14: memref<64x64xf32, #tpu.memory_space<vmem>>, %arg15: memref<64x16xf32, #tpu.memory_space<vmem>>, %arg16: memref<16x128xf32, #tpu.memory_space<vmem>>, %arg17: memref<128xf32, #tpu.memory_space<vmem>>, %arg18: memref<1024x128xf32, #tpu.memory_space<vmem_shared>>, %arg19: memref<16x128xf32, #tpu.memory_space<vmem_shared>>, %arg20: memref<!tpu.dma_semaphore, #tpu.memory_space<semaphore_mem>>) attributes {dimension_semantics = [#tpu.dimension_semantics<core_parallel>, #tpu.dimension_semantics<subcore_parallel>], iteration_bounds = array<i64: 1, 16>, scalar_prefetch = 0 : i64, scratch_operands = 11 : i64, tpu.core_type = #tpu.core_type<sc_vector_subcore>, window_params = [{transform_indices = #map}, {transform_indices = #map1}, {transform_indices = #map}, {transform_indices = #map}, {transform_indices = #map}, {transform_indices = #map}, {transform_indices = #map}, {transform_indices = #map1}]} {
    %mul3A = arith.constant 288 : i32
    %mul3A_0 = arith.muli %arg1, %mul3A : i32
    %mul3A_1 = arith.constant 64 : i32
    %mul3A_2 = arith.muli %arg1, %mul3A_1 : i32
    "tpu.region"() ({
      %run_scoped3A = tpu.sem_alloc : memref<!tpu.dma_semaphore, #tpu.memory_space<semaphore_mem>>
      %dma_start3A_35 = arith.constant 0 : i32
      %dma_start3A_36 = tpu.memref_slice %arg2[%mul3A_0, %dma_start3A_35] : memref<4608x128xf32, #tpu.memory_space<hbm>> -> memref<288x128xf32, #tpu.memory_space<hbm>>
      %dma_start3A_37 = arith.constant 0 : i32
      %dma_start3A_38 = tpu.memref_slice %arg2[%mul3A_0, %dma_start3A_37] : memref<4608x128xf32, #tpu.memory_space<hbm>> -> memref<288x128xf32, #tpu.memory_space<hbm>>
      tpu.enqueue_dma source(%dma_start3A_38 : memref<288x128xf32, #tpu.memory_space<hbm>>) target(%arg10 : memref<288x128xf32, #tpu.memory_space<vmem>>) target_semaphore(%run_scoped3A : memref<!tpu.dma_semaphore, #tpu.memory_space<semaphore_mem>>)
      %dma_wait3A_39 = arith.constant 0 : i32
      %dma_wait3A_40 = tpu.memref_slice %arg2[%mul3A_0, %dma_wait3A_39] : memref<4608x128xf32, #tpu.memory_space<hbm>> -> memref<288x128xf32, #tpu.memory_space<hbm>>
      %dma_wait3A_41 = arith.constant 0 : i32
      %dma_wait3A_42 = tpu.memref_slice %arg2[%mul3A_0, %dma_wait3A_41] : memref<4608x128xf32, #tpu.memory_space<hbm>> -> memref<288x128xf32, #tpu.memory_space<hbm>>
      tpu.wait_dma2 semaphore(%run_scoped3A : memref<!tpu.dma_semaphore, #tpu.memory_space<semaphore_mem>>) src(%dma_wait3A_42 : memref<288x128xf32, #tpu.memory_space<hbm>>) dst(%arg10 : memref<288x128xf32, #tpu.memory_space<vmem>>)
      tpu.yield
    }) : () -> ()
    "tpu.region"() ({
      %run_scoped3A = tpu.sem_alloc : memref<!tpu.dma_semaphore, #tpu.memory_space<semaphore_mem>>
      %dma_start3A_35 = tpu.memref_slice %arg3[%mul3A_0] : memref<4608xi32, #tpu.memory_space<hbm>> -> memref<288xi32, #tpu.memory_space<hbm>>
      %dma_start3A_36 = tpu.memref_slice %arg3[%mul3A_0] : memref<4608xi32, #tpu.memory_space<hbm>> -> memref<288xi32, #tpu.memory_space<hbm>>
      tpu.enqueue_dma source(%dma_start3A_36 : memref<288xi32, #tpu.memory_space<hbm>>) target(%arg11 : memref<288xi32, #tpu.memory_space<vmem>>) target_semaphore(%run_scoped3A : memref<!tpu.dma_semaphore, #tpu.memory_space<semaphore_mem>>)
      %dma_wait3A_37 = tpu.memref_slice %arg3[%mul3A_0] : memref<4608xi32, #tpu.memory_space<hbm>> -> memref<288xi32, #tpu.memory_space<hbm>>
      %dma_wait3A_38 = tpu.memref_slice %arg3[%mul3A_0] : memref<4608xi32, #tpu.memory_space<hbm>> -> memref<288xi32, #tpu.memory_space<hbm>>
      tpu.wait_dma2 semaphore(%run_scoped3A : memref<!tpu.dma_semaphore, #tpu.memory_space<semaphore_mem>>) src(%dma_wait3A_38 : memref<288xi32, #tpu.memory_space<hbm>>) dst(%arg11 : memref<288xi32, #tpu.memory_space<vmem>>)
      tpu.yield
    }) : () -> ()
    %broadcast_in_dim3A = arith.constant 0.000000e+00 : f32
    %broadcast_in_dim3A_3 = vector.broadcast %broadcast_in_dim3A : f32 to vector<16xf32>
    %scan3A = arith.constant 0 : i32
    %scan3A_4 = arith.constant 0 : i32
    %scan3A_5 = arith.constant 64 : i32
    %scan3A_6 = arith.addi %scan3A_4, %scan3A_5 : i32
    %scan3A_7 = arith.constant 1 : i32
    scf.for %scan3A_35 = %scan3A_4 to %scan3A_6 step %scan3A_7  : i32 {
      %swap3A_36 = arith.index_cast %scan3A_35 : i32 to index
      %swap3A_37 = arith.constant 0 : index
      %swap3A_38 = tpu.vector_load %arg13[%swap3A_36, %swap3A_37] {strides = array<i32>} : memref<64x128xf32, #tpu.memory_space<vmem>>, vector<1x16xf32>,
      %swap3A_39 = vector.shape_cast %swap3A_38 : vector<1x16xf32> to vector<16xf32>
      %swap3A_40 = vector.shape_cast %broadcast_in_dim3A_3 : vector<16xf32> to vector<1x16xf32>
      tpu.vector_store %arg13[%swap3A_36, %swap3A_37], %swap3A_40 {strides = array<i32>} : memref<64x128xf32, #tpu.memory_space<vmem>>, vector<1x16xf32>,
      %swap3A_41 = arith.index_cast %scan3A_35 : i32 to index
      %swap3A_42 = arith.constant 16 : index
      %swap3A_43 = tpu.vector_load %arg13[%swap3A_41, %swap3A_42] {strides = array<i32>} : memref<64x128xf32, #tpu.memory_space<vmem>>, vector<1x16xf32>,
      %swap3A_44 = vector.shape_cast %swap3A_43 : vector<1x16xf32> to vector<16xf32>
      %swap3A_45 = vector.shape_cast %broadcast_in_dim3A_3 : vector<16xf32> to vector<1x16xf32>
      tpu.vector_store %arg13[%swap3A_41, %swap3A_42], %swap3A_45 {strides = array<i32>} : memref<64x128xf32, #tpu.memory_space<vmem>>, vector<1x16xf32>,
      %swap3A_46 = arith.index_cast %scan3A_35 : i32 to index
      %swap3A_47 = arith.constant 32 : index
      %swap3A_48 = tpu.vector_load %arg13[%swap3A_46, %swap3A_47] {strides = array<i32>} : memref<64x128xf32, #tpu.memory_space<vmem>>, vector<1x16xf32>,
      %swap3A_49 = vector.shape_cast %swap3A_48 : vector<1x16xf32> to vector<16xf32>
      %swap3A_50 = vector.shape_cast %broadcast_in_dim3A_3 : vector<16xf32> to vector<1x16xf32>
      tpu.vector_store %arg13[%swap3A_46, %swap3A_47], %swap3A_50 {strides = array<i32>} : memref<64x128xf32, #tpu.memory_space<vmem>>, vector<1x16xf32>,
      %swap3A_51 = arith.index_cast %scan3A_35 : i32 to index
      %swap3A_52 = arith.constant 48 : index
      %swap3A_53 = tpu.vector_load %arg13[%swap3A_51, %swap3A_52] {strides = array<i32>} : memref<64x128xf32, #tpu.memory_space<vmem>>, vector<1x16xf32>,
      %swap3A_54 = vector.shape_cast %swap3A_53 : vector<1x16xf32> to vector<16xf32>
      %swap3A_55 = vector.shape_cast %broadcast_in_dim3A_3 : vector<16xf32> to vector<1x16xf32>
      tpu.vector_store %arg13[%swap3A_51, %swap3A_52], %swap3A_55 {strides = array<i32>} : memref<64x128xf32, #tpu.memory_space<vmem>>, vector<1x16xf32>,
    }
    %scan3A_8 = arith.constant 64 : i32
    "tpu.region"() ({
      %run_scoped3A = tpu.sem_alloc : memref<!tpu.dma_semaphore, #tpu.memory_space<semaphore_mem>>
      %dma_start3A_35 = arith.constant 0 : i32
      %dma_start3A_36 = tpu.memref_slice %arg18[%mul3A_2, %dma_start3A_35] : memref<1024x128xf32, #tpu.memory_space<vmem_shared>> -> memref<64x128xf32, #tpu.memory_space<vmem_shared>>
      %dma_start3A_37 = arith.constant 0 : i32
      %dma_start3A_38 = tpu.memref_slice %arg18[%mul3A_2, %dma_start3A_37] : memref<1024x128xf32, #tpu.memory_space<vmem_shared>> -> memref<64x128xf32, #tpu.memory_space<vmem_shared>>
      tpu.enqueue_dma source(%arg13 : memref<64x128xf32, #tpu.memory_space<vmem>>) target(%dma_start3A_38 : memref<64x128xf32, #tpu.memory_space<vmem_shared>>) target_semaphore(%run_scoped3A : memref<!tpu.dma_semaphore, #tpu.memory_space<semaphore_mem>>)
      %dma_wait3A_39 = arith.constant 0 : i32
      %dma_wait3A_40 = tpu.memref_slice %arg18[%mul3A_2, %dma_wait3A_39] : memref<1024x128xf32, #tpu.memory_space<vmem_shared>> -> memref<64x128xf32, #tpu.memory_space<vmem_shared>>
      %dma_wait3A_41 = arith.constant 0 : i32
      %dma_wait3A_42 = tpu.memref_slice %arg18[%mul3A_2, %dma_wait3A_41] : memref<1024x128xf32, #tpu.memory_space<vmem_shared>> -> memref<64x128xf32, #tpu.memory_space<vmem_shared>>
      tpu.wait_dma2 semaphore(%run_scoped3A : memref<!tpu.dma_semaphore, #tpu.memory_space<semaphore_mem>>) src(%arg13 : memref<64x128xf32, #tpu.memory_space<vmem>>) dst(%dma_wait3A_42 : memref<64x128xf32, #tpu.memory_space<vmem_shared>>)
      tpu.yield
    }) : () -> ()
    %barrier3A = arith.constant 0 : index
    tpu.barrier barrier_id(%barrier3A)
    "tpu.region"() ({
      %run_scoped3A = tpu.sem_alloc : memref<!tpu.dma_semaphore, #tpu.memory_space<semaphore_mem>>
      %dma_start3A_35 = arith.constant 0 : i32
      %dma_start3A_36 = arith.constant 0 : i32
      %dma_start3A_37 = tpu.memref_slice %arg18[%dma_start3A_35, %dma_start3A_36] : memref<1024x128xf32, #tpu.memory_space<vmem_shared>> -> memref<1024x128xf32, #tpu.memory_space<vmem_shared>>
      tpu.enqueue_indirect_dma source(%arg10 : memref<288x128xf32, #tpu.memory_space<vmem>>) target(%dma_start3A_37 : memref<1024x128xf32, #tpu.memory_space<vmem_shared>>) offsets(%arg11 : memref<288xi32, #tpu.memory_space<vmem>>) semaphore(%run_scoped3A : memref<!tpu.dma_semaphore, #tpu.memory_space<semaphore_mem>>) {add = true}
      %dma_wait3A_38 = arith.constant 0 : i32
      %dma_wait3A_39 = arith.constant 0 : i32
      %dma_wait3A_40 = tpu.memref_slice %arg18[%dma_wait3A_38, %dma_wait3A_39] : memref<1024x128xf32, #tpu.memory_space<vmem_shared>> -> memref<1024x128xf32, #tpu.memory_space<vmem_shared>>
      tpu.wait_indirect_dma semaphore(%run_scoped3A : memref<!tpu.dma_semaphore, #tpu.memory_space<semaphore_mem>>) src(%arg10 : memref<288x128xf32, #tpu.memory_space<vmem>>) dst(%dma_wait3A_40 : memref<1024x128xf32, #tpu.memory_space<vmem_shared>>)
      tpu.yield
    }) : () -> ()
    %barrier3A_9 = arith.constant 0 : index
    tpu.barrier barrier_id(%barrier3A_9)
    "tpu.region"() ({
      %run_scoped3A = tpu.sem_alloc : memref<!tpu.dma_semaphore, #tpu.memory_space<semaphore_mem>>
      %dma_start3A_35 = arith.constant 0 : i32
      %dma_start3A_36 = tpu.memref_slice %arg18[%mul3A_2, %dma_start3A_35] : memref<1024x128xf32, #tpu.memory_space<vmem_shared>> -> memref<64x128xf32, #tpu.memory_space<vmem_shared>>
      %dma_start3A_37 = arith.constant 0 : i32
      %dma_start3A_38 = tpu.memref_slice %arg18[%mul3A_2, %dma_start3A_37] : memref<1024x128xf32, #tpu.memory_space<vmem_shared>> -> memref<64x128xf32, #tpu.memory_space<vmem_shared>>
      tpu.enqueue_dma source(%dma_start3A_38 : memref<64x128xf32, #tpu.memory_space<vmem_shared>>) target(%arg13 : memref<64x128xf32, #tpu.memory_space<vmem>>) target_semaphore(%run_scoped3A : memref<!tpu.dma_semaphore, #tpu.memory_space<semaphore_mem>>)
      %dma_wait3A_39 = arith.constant 0 : i32
      %dma_wait3A_40 = tpu.memref_slice %arg18[%mul3A_2, %dma_wait3A_39] : memref<1024x128xf32, #tpu.memory_space<vmem_shared>> -> memref<64x128xf32, #tpu.memory_space<vmem_shared>>
      %dma_wait3A_41 = arith.constant 0 : i32
      %dma_wait3A_42 = tpu.memref_slice %arg18[%mul3A_2, %dma_wait3A_41] : memref<1024x128xf32, #tpu.memory_space<vmem_shared>> -> memref<64x128xf32, #tpu.memory_space<vmem_shared>>
      tpu.wait_dma2 semaphore(%run_scoped3A : memref<!tpu.dma_semaphore, #tpu.memory_space<semaphore_mem>>) src(%dma_wait3A_42 : memref<64x128xf32, #tpu.memory_space<vmem_shared>>) dst(%arg13 : memref<64x128xf32, #tpu.memory_space<vmem>>)
      tpu.yield
    }) : () -> ()
    "tpu.region"() ({
      %run_scoped3A = tpu.sem_alloc : memref<!tpu.dma_semaphore, #tpu.memory_space<semaphore_mem>>
      %dma_start3A_35 = arith.constant 0 : i32
      %dma_start3A_36 = tpu.memref_slice %arg4[%mul3A_2, %dma_start3A_35] : memref<1024x64xf32, #tpu.memory_space<hbm>> -> memref<64x64xf32, #tpu.memory_space<hbm>>
      %dma_start3A_37 = arith.constant 0 : i32
      %dma_start3A_38 = tpu.memref_slice %arg4[%mul3A_2, %dma_start3A_37] : memref<1024x64xf32, #tpu.memory_space<hbm>> -> memref<64x64xf32, #tpu.memory_space<hbm>>
      tpu.enqueue_dma source(%dma_start3A_38 : memref<64x64xf32, #tpu.memory_space<hbm>>) target(%arg14 : memref<64x64xf32, #tpu.memory_space<vmem>>) target_semaphore(%run_scoped3A : memref<!tpu.dma_semaphore, #tpu.memory_space<semaphore_mem>>)
      %dma_wait3A_39 = arith.constant 0 : i32
      %dma_wait3A_40 = tpu.memref_slice %arg4[%mul3A_2, %dma_wait3A_39] : memref<1024x64xf32, #tpu.memory_space<hbm>> -> memref<64x64xf32, #tpu.memory_space<hbm>>
      %dma_wait3A_41 = arith.constant 0 : i32
      %dma_wait3A_42 = tpu.memref_slice %arg4[%mul3A_2, %dma_wait3A_41] : memref<1024x64xf32, #tpu.memory_space<hbm>> -> memref<64x64xf32, #tpu.memory_space<hbm>>
      tpu.wait_dma2 semaphore(%run_scoped3A : memref<!tpu.dma_semaphore, #tpu.memory_space<semaphore_mem>>) src(%dma_wait3A_42 : memref<64x64xf32, #tpu.memory_space<hbm>>) dst(%arg14 : memref<64x64xf32, #tpu.memory_space<vmem>>)
      tpu.yield
    }) : () -> ()
    "tpu.region"() ({
      %run_scoped3A = tpu.sem_alloc : memref<!tpu.dma_semaphore, #tpu.memory_space<semaphore_mem>>
      %dma_start3A_35 = arith.constant 0 : i32
      %dma_start3A_36 = tpu.memref_slice %arg5[%mul3A_2, %dma_start3A_35] : memref<1024x16xf32, #tpu.memory_space<hbm>> -> memref<64x16xf32, #tpu.memory_space<hbm>>
      %dma_start3A_37 = arith.constant 0 : i32
      %dma_start3A_38 = tpu.memref_slice %arg5[%mul3A_2, %dma_start3A_37] : memref<1024x16xf32, #tpu.memory_space<hbm>> -> memref<64x16xf32, #tpu.memory_space<hbm>>
      tpu.enqueue_dma source(%dma_start3A_38 : memref<64x16xf32, #tpu.memory_space<hbm>>) target(%arg15 : memref<64x16xf32, #tpu.memory_space<vmem>>) target_semaphore(%run_scoped3A : memref<!tpu.dma_semaphore, #tpu.memory_space<semaphore_mem>>)
      %dma_wait3A_39 = arith.constant 0 : i32
      %dma_wait3A_40 = tpu.memref_slice %arg5[%mul3A_2, %dma_wait3A_39] : memref<1024x16xf32, #tpu.memory_space<hbm>> -> memref<64x16xf32, #tpu.memory_space<hbm>>
      %dma_wait3A_41 = arith.constant 0 : i32
      %dma_wait3A_42 = tpu.memref_slice %arg5[%mul3A_2, %dma_wait3A_41] : memref<1024x16xf32, #tpu.memory_space<hbm>> -> memref<64x16xf32, #tpu.memory_space<hbm>>
      tpu.wait_dma2 semaphore(%run_scoped3A : memref<!tpu.dma_semaphore, #tpu.memory_space<semaphore_mem>>) src(%dma_wait3A_42 : memref<64x16xf32, #tpu.memory_space<hbm>>) dst(%arg15 : memref<64x16xf32, #tpu.memory_space<vmem>>)
      tpu.yield
    }) : () -> ()
    %scan3A_10 = arith.constant 0 : i32
    %scan3A_11 = arith.constant 0 : i32
    %scan3A_12 = arith.constant 64 : i32
    %scan3A_13 = arith.addi %scan3A_11, %scan3A_12 : i32
    %scan3A_14 = arith.constant 1 : i32
    scf.for %scan3A_35 = %scan3A_11 to %scan3A_13 step %scan3A_14  : i32 {
      %get3A = arith.index_cast %scan3A_35 : i32 to index
      %get3A_36 = arith.constant 0 : index
      %get3A_37 = tpu.vector_load %arg15[%get3A, %get3A_36] {strides = array<i32>} : memref<64x16xf32, #tpu.memory_space<vmem>>, vector<1x16xf32>,
      %get3A_38 = vector.shape_cast %get3A_37 : vector<1x16xf32> to vector<16xf32>
      %get3A_39 = arith.index_cast %scan3A_35 : i32 to index
      %get3A_40 = arith.constant 0 : index
      %get3A_41 = tpu.vector_load %arg14[%get3A_39, %get3A_40] {strides = array<i32>} : memref<64x64xf32, #tpu.memory_space<vmem>>, vector<1x16xf32>,
      %get3A_42 = vector.shape_cast %get3A_41 : vector<1x16xf32> to vector<16xf32>
      %mul3A_43 = arith.constant 9.900000e-01 : f32
      %mul3A_44 = vector.broadcast %mul3A_43 : f32 to vector<16xf32>
      %mul3A_45 = arith.mulf %mul3A_44, %get3A_42 : vector<16xf32>
      %get3A_46 = arith.index_cast %scan3A_35 : i32 to index
      %get3A_47 = arith.constant 0 : index
      %get3A_48 = tpu.vector_load %arg13[%get3A_46, %get3A_47] {strides = array<i32>} : memref<64x128xf32, #tpu.memory_space<vmem>>, vector<1x16xf32>,
      %get3A_49 = vector.shape_cast %get3A_48 : vector<1x16xf32> to vector<16xf32>
      %mul3A_50 = arith.constant 0.00999999977 : f32
      %mul3A_51 = vector.broadcast %mul3A_50 : f32 to vector<16xf32>
      %mul3A_52 = arith.mulf %mul3A_51, %get3A_49 : vector<16xf32>
      %add3A = arith.addf %mul3A_45, %mul3A_52 : vector<16xf32>
      %swap3A_53 = arith.index_cast %scan3A_35 : i32 to index
      %swap3A_54 = arith.constant 0 : index
      %swap3A_55 = tpu.vector_load %arg14[%swap3A_53, %swap3A_54] {strides = array<i32>} : memref<64x64xf32, #tpu.memory_space<vmem>>, vector<1x16xf32>,
      %swap3A_56 = vector.shape_cast %swap3A_55 : vector<1x16xf32> to vector<16xf32>
      %swap3A_57 = vector.shape_cast %add3A : vector<16xf32> to vector<1x16xf32>
      tpu.vector_store %arg14[%swap3A_53, %swap3A_54], %swap3A_57 {strides = array<i32>} : memref<64x64xf32, #tpu.memory_space<vmem>>, vector<1x16xf32>,
      %mul3A_58 = arith.mulf %add3A, %get3A_38 : vector<16xf32>
      %swap3A_59 = arith.index_cast %scan3A_35 : i32 to index
      %swap3A_60 = arith.constant 0 : index
      %swap3A_61 = tpu.vector_load %arg13[%swap3A_59, %swap3A_60] {strides = array<i32>} : memref<64x128xf32, #tpu.memory_space<vmem>>, vector<1x16xf32>,
      %swap3A_62 = vector.shape_cast %swap3A_61 : vector<1x16xf32> to vector<16xf32>
      %swap3A_63 = vector.shape_cast %mul3A_58 : vector<16xf32> to vector<1x16xf32>
      tpu.vector_store %arg13[%swap3A_59, %swap3A_60], %swap3A_63 {strides = array<i32>} : memref<64x128xf32, #tpu.memory_space<vmem>>, vector<1x16xf32>,
      %get3A_64 = arith.index_cast %scan3A_35 : i32 to index
      %get3A_65 = arith.constant 16 : index
      %get3A_66 = tpu.vector_load %arg14[%get3A_64, %get3A_65] {strides = array<i32>} : memref<64x64xf32, #tpu.memory_space<vmem>>, vector<1x16xf32>,
      %get3A_67 = vector.shape_cast %get3A_66 : vector<1x16xf32> to vector<16xf32>
      %mul3A_68 = arith.constant 9.900000e-01 : f32
      %mul3A_69 = vector.broadcast %mul3A_68 : f32 to vector<16xf32>
      %mul3A_70 = arith.mulf %mul3A_69, %get3A_67 : vector<16xf32>
      %get3A_71 = arith.index_cast %scan3A_35 : i32 to index
      %get3A_72 = arith.constant 16 : index
      %get3A_73 = tpu.vector_load %arg13[%get3A_71, %get3A_72] {strides = array<i32>} : memref<64x128xf32, #tpu.memory_space<vmem>>, vector<1x16xf32>,
      %get3A_74 = vector.shape_cast %get3A_73 : vector<1x16xf32> to vector<16xf32>
      %mul3A_75 = arith.constant 0.00999999977 : f32
      %mul3A_76 = vector.broadcast %mul3A_75 : f32 to vector<16xf32>
      %mul3A_77 = arith.mulf %mul3A_76, %get3A_74 : vector<16xf32>
      %add3A_78 = arith.addf %mul3A_70, %mul3A_77 : vector<16xf32>
      %swap3A_79 = arith.index_cast %scan3A_35 : i32 to index
      %swap3A_80 = arith.constant 16 : index
      %swap3A_81 = tpu.vector_load %arg14[%swap3A_79, %swap3A_80] {strides = array<i32>} : memref<64x64xf32, #tpu.memory_space<vmem>>, vector<1x16xf32>,
      %swap3A_82 = vector.shape_cast %swap3A_81 : vector<1x16xf32> to vector<16xf32>
      %swap3A_83 = vector.shape_cast %add3A_78 : vector<16xf32> to vector<1x16xf32>
      tpu.vector_store %arg14[%swap3A_79, %swap3A_80], %swap3A_83 {strides = array<i32>} : memref<64x64xf32, #tpu.memory_space<vmem>>, vector<1x16xf32>,
      %mul3A_84 = arith.mulf %add3A_78, %get3A_38 : vector<16xf32>
      %swap3A_85 = arith.index_cast %scan3A_35 : i32 to index
      %swap3A_86 = arith.constant 16 : index
      %swap3A_87 = tpu.vector_load %arg13[%swap3A_85, %swap3A_86] {strides = array<i32>} : memref<64x128xf32, #tpu.memory_space<vmem>>, vector<1x16xf32>,
      %swap3A_88 = vector.shape_cast %swap3A_87 : vector<1x16xf32> to vector<16xf32>
      %swap3A_89 = vector.shape_cast %mul3A_84 : vector<16xf32> to vector<1x16xf32>
      tpu.vector_store %arg13[%swap3A_85, %swap3A_86], %swap3A_89 {strides = array<i32>} : memref<64x128xf32, #tpu.memory_space<vmem>>, vector<1x16xf32>,
      %get3A_90 = arith.index_cast %scan3A_35 : i32 to index
      %get3A_91 = arith.constant 32 : index
      %get3A_92 = tpu.vector_load %arg14[%get3A_90, %get3A_91] {strides = array<i32>} : memref<64x64xf32, #tpu.memory_space<vmem>>, vector<1x16xf32>,
      %get3A_93 = vector.shape_cast %get3A_92 : vector<1x16xf32> to vector<16xf32>
      %mul3A_94 = arith.constant 9.900000e-01 : f32
      %mul3A_95 = vector.broadcast %mul3A_94 : f32 to vector<16xf32>
      %mul3A_96 = arith.mulf %mul3A_95, %get3A_93 : vector<16xf32>
      %get3A_97 = arith.index_cast %scan3A_35 : i32 to index
      %get3A_98 = arith.constant 32 : index
      %get3A_99 = tpu.vector_load %arg13[%get3A_97, %get3A_98] {strides = array<i32>} : memref<64x128xf32, #tpu.memory_space<vmem>>, vector<1x16xf32>,
      %get3A_100 = vector.shape_cast %get3A_99 : vector<1x16xf32> to vector<16xf32>
      %mul3A_101 = arith.constant 0.00999999977 : f32
      %mul3A_102 = vector.broadcast %mul3A_101 : f32 to vector<16xf32>
      %mul3A_103 = arith.mulf %mul3A_102, %get3A_100 : vector<16xf32>
      %add3A_104 = arith.addf %mul3A_96, %mul3A_103 : vector<16xf32>
      %swap3A_105 = arith.index_cast %scan3A_35 : i32 to index
      %swap3A_106 = arith.constant 32 : index
      %swap3A_107 = tpu.vector_load %arg14[%swap3A_105, %swap3A_106] {strides = array<i32>} : memref<64x64xf32, #tpu.memory_space<vmem>>, vector<1x16xf32>,
      %swap3A_108 = vector.shape_cast %swap3A_107 : vector<1x16xf32> to vector<16xf32>
      %swap3A_109 = vector.shape_cast %add3A_104 : vector<16xf32> to vector<1x16xf32>
      tpu.vector_store %arg14[%swap3A_105, %swap3A_106], %swap3A_109 {strides = array<i32>} : memref<64x64xf32, #tpu.memory_space<vmem>>, vector<1x16xf32>,
      %mul3A_110 = arith.mulf %add3A_104, %get3A_38 : vector<16xf32>
      %swap3A_111 = arith.index_cast %scan3A_35 : i32 to index
      %swap3A_112 = arith.constant 32 : index
      %swap3A_113 = tpu.vector_load %arg13[%swap3A_111, %swap3A_112] {strides = array<i32>} : memref<64x128xf32, #tpu.memory_space<vmem>>, vector<1x16xf32>,
      %swap3A_114 = vector.shape_cast %swap3A_113 : vector<1x16xf32> to vector<16xf32>
      %swap3A_115 = vector.shape_cast %mul3A_110 : vector<16xf32> to vector<1x16xf32>
      tpu.vector_store %arg13[%swap3A_111, %swap3A_112], %swap3A_115 {strides = array<i32>} : memref<64x128xf32, #tpu.memory_space<vmem>>, vector<1x16xf32>,
      %get3A_116 = arith.index_cast %scan3A_35 : i32 to index
      %get3A_117 = arith.constant 48 : index
      %get3A_118 = tpu.vector_load %arg14[%get3A_116, %get3A_117] {strides = array<i32>} : memref<64x64xf32, #tpu.memory_space<vmem>>, vector<1x16xf32>,
      %get3A_119 = vector.shape_cast %get3A_118 : vector<1x16xf32> to vector<16xf32>
      %mul3A_120 = arith.constant 9.900000e-01 : f32
      %mul3A_121 = vector.broadcast %mul3A_120 : f32 to vector<16xf32>
      %mul3A_122 = arith.mulf %mul3A_121, %get3A_119 : vector<16xf32>
      %get3A_123 = arith.index_cast %scan3A_35 : i32 to index
      %get3A_124 = arith.constant 48 : index
      %get3A_125 = tpu.vector_load %arg13[%get3A_123, %get3A_124] {strides = array<i32>} : memref<64x128xf32, #tpu.memory_space<vmem>>, vector<1x16xf32>,
      %get3A_126 = vector.shape_cast %get3A_125 : vector<1x16xf32> to vector<16xf32>
      %mul3A_127 = arith.constant 0.00999999977 : f32
      %mul3A_128 = vector.broadcast %mul3A_127 : f32 to vector<16xf32>
      %mul3A_129 = arith.mulf %mul3A_128, %get3A_126 : vector<16xf32>
      %add3A_130 = arith.addf %mul3A_122, %mul3A_129 : vector<16xf32>
      %swap3A_131 = arith.index_cast %scan3A_35 : i32 to index
      %swap3A_132 = arith.constant 48 : index
      %swap3A_133 = tpu.vector_load %arg14[%swap3A_131, %swap3A_132] {strides = array<i32>} : memref<64x64xf32, #tpu.memory_space<vmem>>, vector<1x16xf32>,
      %swap3A_134 = vector.shape_cast %swap3A_133 : vector<1x16xf32> to vector<16xf32>
      %swap3A_135 = vector.shape_cast %add3A_130 : vector<16xf32> to vector<1x16xf32>
      tpu.vector_store %arg14[%swap3A_131, %swap3A_132], %swap3A_135 {strides = array<i32>} : memref<64x64xf32, #tpu.memory_space<vmem>>, vector<1x16xf32>,
      %mul3A_136 = arith.mulf %add3A_130, %get3A_38 : vector<16xf32>
      %swap3A_137 = arith.index_cast %scan3A_35 : i32 to index
      %swap3A_138 = arith.constant 48 : index
      %swap3A_139 = tpu.vector_load %arg13[%swap3A_137, %swap3A_138] {strides = array<i32>} : memref<64x128xf32, #tpu.memory_space<vmem>>, vector<1x16xf32>,
      %swap3A_140 = vector.shape_cast %swap3A_139 : vector<1x16xf32> to vector<16xf32>
      %swap3A_141 = vector.shape_cast %mul3A_136 : vector<16xf32> to vector<1x16xf32>
      tpu.vector_store %arg13[%swap3A_137, %swap3A_138], %swap3A_141 {strides = array<i32>} : memref<64x128xf32, #tpu.memory_space<vmem>>, vector<1x16xf32>,
    }
    %scan3A_15 = arith.constant 64 : i32
    "tpu.region"() ({
      %run_scoped3A = tpu.sem_alloc : memref<!tpu.dma_semaphore, #tpu.memory_space<semaphore_mem>>
      %dma_start3A_35 = arith.constant 0 : i32
      %dma_start3A_36 = tpu.memref_slice %arg7[%mul3A_2, %dma_start3A_35] : memref<1024x64xf32, #tpu.memory_space<hbm>> -> memref<64x64xf32, #tpu.memory_space<hbm>>
      %dma_start3A_37 = arith.constant 0 : i32
      %dma_start3A_38 = tpu.memref_slice %arg7[%mul3A_2, %dma_start3A_37] : memref<1024x64xf32, #tpu.memory_space<hbm>> -> memref<64x64xf32, #tpu.memory_space<hbm>>
      tpu.enqueue_dma source(%arg14 : memref<64x64xf32, #tpu.memory_space<vmem>>) target(%dma_start3A_38 : memref<64x64xf32, #tpu.memory_space<hbm>>) target_semaphore(%run_scoped3A : memref<!tpu.dma_semaphore, #tpu.memory_space<semaphore_mem>>)
      %dma_wait3A_39 = arith.constant 0 : i32
      %dma_wait3A_40 = tpu.memref_slice %arg7[%mul3A_2, %dma_wait3A_39] : memref<1024x64xf32, #tpu.memory_space<hbm>> -> memref<64x64xf32, #tpu.memory_space<hbm>>
      %dma_wait3A_41 = arith.constant 0 : i32
      %dma_wait3A_42 = tpu.memref_slice %arg7[%mul3A_2, %dma_wait3A_41] : memref<1024x64xf32, #tpu.memory_space<hbm>> -> memref<64x64xf32, #tpu.memory_space<hbm>>
      tpu.wait_dma2 semaphore(%run_scoped3A : memref<!tpu.dma_semaphore, #tpu.memory_space<semaphore_mem>>) src(%arg14 : memref<64x64xf32, #tpu.memory_space<vmem>>) dst(%dma_wait3A_42 : memref<64x64xf32, #tpu.memory_space<hbm>>)
      tpu.yield
    }) : () -> ()
    "tpu.region"() ({
      %run_scoped3A = tpu.sem_alloc : memref<!tpu.dma_semaphore, #tpu.memory_space<semaphore_mem>>
      %dma_start3A_35 = arith.constant 0 : i32
      %dma_start3A_36 = tpu.memref_slice %arg8[%mul3A_2, %dma_start3A_35] : memref<1024x128xf32, #tpu.memory_space<hbm>> -> memref<64x128xf32, #tpu.memory_space<hbm>>
      %dma_start3A_37 = arith.constant 0 : i32
      %dma_start3A_38 = tpu.memref_slice %arg8[%mul3A_2, %dma_start3A_37] : memref<1024x128xf32, #tpu.memory_space<hbm>> -> memref<64x128xf32, #tpu.memory_space<hbm>>
      tpu.enqueue_dma source(%arg13 : memref<64x128xf32, #tpu.memory_space<vmem>>) target(%dma_start3A_38 : memref<64x128xf32, #tpu.memory_space<hbm>>) target_semaphore(%run_scoped3A : memref<!tpu.dma_semaphore, #tpu.memory_space<semaphore_mem>>)
      %dma_wait3A_39 = arith.constant 0 : i32
      %dma_wait3A_40 = tpu.memref_slice %arg8[%mul3A_2, %dma_wait3A_39] : memref<1024x128xf32, #tpu.memory_space<hbm>> -> memref<64x128xf32, #tpu.memory_space<hbm>>
      %dma_wait3A_41 = arith.constant 0 : i32
      %dma_wait3A_42 = tpu.memref_slice %arg8[%mul3A_2, %dma_wait3A_41] : memref<1024x128xf32, #tpu.memory_space<hbm>> -> memref<64x128xf32, #tpu.memory_space<hbm>>
      tpu.wait_dma2 semaphore(%run_scoped3A : memref<!tpu.dma_semaphore, #tpu.memory_space<semaphore_mem>>) src(%arg13 : memref<64x128xf32, #tpu.memory_space<vmem>>) dst(%dma_wait3A_42 : memref<64x128xf32, #tpu.memory_space<hbm>>)
      tpu.yield
    }) : () -> ()
    "tpu.region"() ({
      %run_scoped3A = tpu.sem_alloc : memref<!tpu.dma_semaphore, #tpu.memory_space<semaphore_mem>>
      %dma_start3A_35 = arith.constant 0 : i32
      %dma_start3A_36 = tpu.memref_slice %arg18[%mul3A_2, %dma_start3A_35] : memref<1024x128xf32, #tpu.memory_space<vmem_shared>> -> memref<64x128xf32, #tpu.memory_space<vmem_shared>>
      %dma_start3A_37 = arith.constant 0 : i32
      %dma_start3A_38 = tpu.memref_slice %arg18[%mul3A_2, %dma_start3A_37] : memref<1024x128xf32, #tpu.memory_space<vmem_shared>> -> memref<64x128xf32, #tpu.memory_space<vmem_shared>>
      tpu.enqueue_dma source(%arg13 : memref<64x128xf32, #tpu.memory_space<vmem>>) target(%dma_start3A_38 : memref<64x128xf32, #tpu.memory_space<vmem_shared>>) target_semaphore(%run_scoped3A : memref<!tpu.dma_semaphore, #tpu.memory_space<semaphore_mem>>)
      %dma_wait3A_39 = arith.constant 0 : i32
      %dma_wait3A_40 = tpu.memref_slice %arg18[%mul3A_2, %dma_wait3A_39] : memref<1024x128xf32, #tpu.memory_space<vmem_shared>> -> memref<64x128xf32, #tpu.memory_space<vmem_shared>>
      %dma_wait3A_41 = arith.constant 0 : i32
      %dma_wait3A_42 = tpu.memref_slice %arg18[%mul3A_2, %dma_wait3A_41] : memref<1024x128xf32, #tpu.memory_space<vmem_shared>> -> memref<64x128xf32, #tpu.memory_space<vmem_shared>>
      tpu.wait_dma2 semaphore(%run_scoped3A : memref<!tpu.dma_semaphore, #tpu.memory_space<semaphore_mem>>) src(%arg13 : memref<64x128xf32, #tpu.memory_space<vmem>>) dst(%dma_wait3A_42 : memref<64x128xf32, #tpu.memory_space<vmem_shared>>)
      tpu.yield
    }) : () -> ()
    %barrier3A_16 = arith.constant 0 : index
    tpu.barrier barrier_id(%barrier3A_16)
    %dma_start3A = arith.constant 0 : i32
    %dma_start3A_17 = arith.constant 0 : i32
    %dma_start3A_18 = tpu.memref_slice %arg18[%dma_start3A, %dma_start3A_17] : memref<1024x128xf32, #tpu.memory_space<vmem_shared>> -> memref<1024x128xf32, #tpu.memory_space<vmem_shared>>
    tpu.enqueue_indirect_dma source(%dma_start3A_18 : memref<1024x128xf32, #tpu.memory_space<vmem_shared>>) target(%arg12 : memref<288x128xf32, #tpu.memory_space<vmem>>) offsets(%arg11 : memref<288xi32, #tpu.memory_space<vmem>>) semaphore(%arg20 : memref<!tpu.dma_semaphore, #tpu.memory_space<semaphore_mem>>)
    %dma_wait3A = arith.constant 0 : i32
    %dma_wait3A_19 = arith.constant 0 : i32
    %dma_wait3A_20 = tpu.memref_slice %arg18[%dma_wait3A, %dma_wait3A_19] : memref<1024x128xf32, #tpu.memory_space<vmem_shared>> -> memref<1024x128xf32, #tpu.memory_space<vmem_shared>>
    tpu.wait_indirect_dma semaphore(%arg20 : memref<!tpu.dma_semaphore, #tpu.memory_space<semaphore_mem>>) src(%dma_wait3A_20 : memref<1024x128xf32, #tpu.memory_space<vmem_shared>>) dst(%arg12 : memref<288x128xf32, #tpu.memory_space<vmem>>)
    "tpu.region"() ({
      %run_scoped3A = tpu.sem_alloc : memref<!tpu.dma_semaphore, #tpu.memory_space<semaphore_mem>>
      %dma_start3A_35 = arith.constant 0 : i32
      %dma_start3A_36 = tpu.memref_slice %arg6[%mul3A_0, %dma_start3A_35] : memref<4608x128xf32, #tpu.memory_space<hbm>> -> memref<288x128xf32, #tpu.memory_space<hbm>>
      %dma_start3A_37 = arith.constant 0 : i32
      %dma_start3A_38 = tpu.memref_slice %arg6[%mul3A_0, %dma_start3A_37] : memref<4608x128xf32, #tpu.memory_space<hbm>> -> memref<288x128xf32, #tpu.memory_space<hbm>>
      tpu.enqueue_dma source(%arg12 : memref<288x128xf32, #tpu.memory_space<vmem>>) target(%dma_start3A_38 : memref<288x128xf32, #tpu.memory_space<hbm>>) target_semaphore(%run_scoped3A : memref<!tpu.dma_semaphore, #tpu.memory_space<semaphore_mem>>)
      %dma_wait3A_39 = arith.constant 0 : i32
      %dma_wait3A_40 = tpu.memref_slice %arg6[%mul3A_0, %dma_wait3A_39] : memref<4608x128xf32, #tpu.memory_space<hbm>> -> memref<288x128xf32, #tpu.memory_space<hbm>>
      %dma_wait3A_41 = arith.constant 0 : i32
      %dma_wait3A_42 = tpu.memref_slice %arg6[%mul3A_0, %dma_wait3A_41] : memref<4608x128xf32, #tpu.memory_space<hbm>> -> memref<288x128xf32, #tpu.memory_space<hbm>>
      tpu.wait_dma2 semaphore(%run_scoped3A : memref<!tpu.dma_semaphore, #tpu.memory_space<semaphore_mem>>) src(%arg12 : memref<288x128xf32, #tpu.memory_space<vmem>>) dst(%dma_wait3A_42 : memref<288x128xf32, #tpu.memory_space<hbm>>)
      tpu.yield
    }) : () -> ()
    %broadcast_in_dim3A_21 = arith.constant 0.000000e+00 : f32
    %broadcast_in_dim3A_22 = vector.broadcast %broadcast_in_dim3A_21 : f32 to vector<16xf32>
    %scan3A_23 = arith.constant 0 : i32
    %scan3A_24 = arith.constant 288 : i32
    %scan3A_25 = arith.addi %scan3A_23, %scan3A_24 : i32
    %scan3A_26 = arith.constant 1 : i32
    %scan3A_27 = scf.for %scan3A_35 = %scan3A_23 to %scan3A_25 step %scan3A_26 iter_args(%scan3A_36 = %broadcast_in_dim3A_22) -> (vector<16xf32>)  : i32 {
      %get3A = arith.index_cast %scan3A_35 : i32 to index
      %get3A_37 = arith.constant 0 : index
      %get3A_38 = tpu.vector_load %arg10[%get3A, %get3A_37] {strides = array<i32>} : memref<288x128xf32, #tpu.memory_space<vmem>>, vector<1x16xf32>,
      %get3A_39 = vector.shape_cast %get3A_38 : vector<1x16xf32> to vector<16xf32>
      %get3A_40 = arith.index_cast %scan3A_35 : i32 to index
      %get3A_41 = arith.constant 0 : index
      %get3A_42 = tpu.vector_load %arg12[%get3A_40, %get3A_41] {strides = array<i32>} : memref<288x128xf32, #tpu.memory_space<vmem>>, vector<1x16xf32>,
      %get3A_43 = vector.shape_cast %get3A_42 : vector<1x16xf32> to vector<16xf32>
      %sub3A = arith.subf %get3A_39, %get3A_43 : vector<16xf32>
      %mul3A_44 = arith.mulf %sub3A, %sub3A : vector<16xf32>
      %add3A = arith.addf %scan3A_36, %mul3A_44 : vector<16xf32>
      %get3A_45 = arith.index_cast %scan3A_35 : i32 to index
      %get3A_46 = arith.constant 16 : index
      %get3A_47 = tpu.vector_load %arg10[%get3A_45, %get3A_46] {strides = array<i32>} : memref<288x128xf32, #tpu.memory_space<vmem>>, vector<1x16xf32>,
      %get3A_48 = vector.shape_cast %get3A_47 : vector<1x16xf32> to vector<16xf32>
      %get3A_49 = arith.index_cast %scan3A_35 : i32 to index
      %get3A_50 = arith.constant 16 : index
      %get3A_51 = tpu.vector_load %arg12[%get3A_49, %get3A_50] {strides = array<i32>} : memref<288x128xf32, #tpu.memory_space<vmem>>, vector<1x16xf32>,
      %get3A_52 = vector.shape_cast %get3A_51 : vector<1x16xf32> to vector<16xf32>
      %sub3A_53 = arith.subf %get3A_48, %get3A_52 : vector<16xf32>
      %mul3A_54 = arith.mulf %sub3A_53, %sub3A_53 : vector<16xf32>
      %add3A_55 = arith.addf %add3A, %mul3A_54 : vector<16xf32>
      %get3A_56 = arith.index_cast %scan3A_35 : i32 to index
      %get3A_57 = arith.constant 32 : index
      %get3A_58 = tpu.vector_load %arg10[%get3A_56, %get3A_57] {strides = array<i32>} : memref<288x128xf32, #tpu.memory_space<vmem>>, vector<1x16xf32>,
      %get3A_59 = vector.shape_cast %get3A_58 : vector<1x16xf32> to vector<16xf32>
      %get3A_60 = arith.index_cast %scan3A_35 : i32 to index
      %get3A_61 = arith.constant 32 : index
      %get3A_62 = tpu.vector_load %arg12[%get3A_60, %get3A_61] {strides = array<i32>} : memref<288x128xf32, #tpu.memory_space<vmem>>, vector<1x16xf32>,
      %get3A_63 = vector.shape_cast %get3A_62 : vector<1x16xf32> to vector<16xf32>
      %sub3A_64 = arith.subf %get3A_59, %get3A_63 : vector<16xf32>
      %mul3A_65 = arith.mulf %sub3A_64, %sub3A_64 : vector<16xf32>
      %add3A_66 = arith.addf %add3A_55, %mul3A_65 : vector<16xf32>
      %get3A_67 = arith.index_cast %scan3A_35 : i32 to index
      %get3A_68 = arith.constant 48 : index
      %get3A_69 = tpu.vector_load %arg10[%get3A_67, %get3A_68] {strides = array<i32>} : memref<288x128xf32, #tpu.memory_space<vmem>>, vector<1x16xf32>,
      %get3A_70 = vector.shape_cast %get3A_69 : vector<1x16xf32> to vector<16xf32>
      %get3A_71 = arith.index_cast %scan3A_35 : i32 to index
      %get3A_72 = arith.constant 48 : index
      %get3A_73 = tpu.vector_load %arg12[%get3A_71, %get3A_72] {strides = array<i32>} : memref<288x128xf32, #tpu.memory_space<vmem>>, vector<1x16xf32>,
      %get3A_74 = vector.shape_cast %get3A_73 : vector<1x16xf32> to vector<16xf32>
      %sub3A_75 = arith.subf %get3A_70, %get3A_74 : vector<16xf32>
      %mul3A_76 = arith.mulf %sub3A_75, %sub3A_75 : vector<16xf32>
      %add3A_77 = arith.addf %add3A_66, %mul3A_76 : vector<16xf32>
      scf.yield %add3A_77 : vector<16xf32>
    }
    %scan3A_28 = arith.constant 288 : i32
    %swap3A = arith.constant 0 : index
    %swap3A_29 = tpu.vector_load %arg17[%swap3A] {strides = array<i32>} : memref<128xf32, #tpu.memory_space<vmem>>, vector<16xf32>,
    %swap3A_30 = vector.shape_cast %swap3A_29 : vector<16xf32> to vector<16xf32>
    %swap3A_31 = vector.shape_cast %scan3A_27 : vector<16xf32> to vector<16xf32>
    tpu.vector_store %arg17[%swap3A], %swap3A_31 {strides = array<i32>} : memref<128xf32, #tpu.memory_space<vmem>>, vector<16xf32>,
    "tpu.region"() ({
      %run_scoped3A = tpu.sem_alloc : memref<!tpu.dma_semaphore, #tpu.memory_space<semaphore_mem>>
      %dma_start3A_35 = arith.constant 0 : i32
      %dma_start3A_36 = tpu.memref_slice %arg19[%arg1, %dma_start3A_35] : memref<16x128xf32, #tpu.memory_space<vmem_shared>> -> memref<1x128xf32, #tpu.memory_space<vmem_shared>>
      %dma_start3A_37 = tpu.memref_squeeze %dma_start3A_36 : memref<1x128xf32, #tpu.memory_space<vmem_shared>> -> memref<128xf32, #tpu.memory_space<vmem_shared>>
      %dma_start3A_38 = arith.constant 0 : i32
      %dma_start3A_39 = tpu.memref_slice %arg19[%arg1, %dma_start3A_38] : memref<16x128xf32, #tpu.memory_space<vmem_shared>> -> memref<1x128xf32, #tpu.memory_space<vmem_shared>>
      %dma_start3A_40 = tpu.memref_squeeze %dma_start3A_39 : memref<1x128xf32, #tpu.memory_space<vmem_shared>> -> memref<128xf32, #tpu.memory_space<vmem_shared>>
      tpu.enqueue_dma source(%arg17 : memref<128xf32, #tpu.memory_space<vmem>>) target(%dma_start3A_40 : memref<128xf32, #tpu.memory_space<vmem_shared>>) target_semaphore(%run_scoped3A : memref<!tpu.dma_semaphore, #tpu.memory_space<semaphore_mem>>)
      %dma_wait3A_41 = arith.constant 0 : i32
      %dma_wait3A_42 = tpu.memref_slice %arg19[%arg1, %dma_wait3A_41] : memref<16x128xf32, #tpu.memory_space<vmem_shared>> -> memref<1x128xf32, #tpu.memory_space<vmem_shared>>
      %dma_wait3A_43 = tpu.memref_squeeze %dma_wait3A_42 : memref<1x128xf32, #tpu.memory_space<vmem_shared>> -> memref<128xf32, #tpu.memory_space<vmem_shared>>
      %dma_wait3A_44 = arith.constant 0 : i32
      %dma_wait3A_45 = tpu.memref_slice %arg19[%arg1, %dma_wait3A_44] : memref<16x128xf32, #tpu.memory_space<vmem_shared>> -> memref<1x128xf32, #tpu.memory_space<vmem_shared>>
      %dma_wait3A_46 = tpu.memref_squeeze %dma_wait3A_45 : memref<1x128xf32, #tpu.memory_space<vmem_shared>> -> memref<128xf32, #tpu.memory_space<vmem_shared>>
      tpu.wait_dma2 semaphore(%run_scoped3A : memref<!tpu.dma_semaphore, #tpu.memory_space<semaphore_mem>>) src(%arg17 : memref<128xf32, #tpu.memory_space<vmem>>) dst(%dma_wait3A_46 : memref<128xf32, #tpu.memory_space<vmem_shared>>)
      tpu.yield
    }) : () -> ()
    %barrier3A_32 = arith.constant 0 : index
    tpu.barrier barrier_id(%barrier3A_32)
    %eq3A = arith.constant 0 : i32
    %eq3A_33 = arith.cmpi eq, %arg1, %eq3A : i32
    %convert_element_type3A = arith.extui %eq3A_33 : i1 to i32
    %cond3A = arith.constant 0 : i32
    %cond3A_34 = arith.cmpi ne, %convert_element_type3A, %cond3A : i32
    scf.if %cond3A_34 {
      "tpu.region"() ({
        %run_scoped3A = tpu.sem_alloc : memref<!tpu.dma_semaphore, #tpu.memory_space<semaphore_mem>>
        tpu.enqueue_dma source(%arg19 : memref<16x128xf32, #tpu.memory_space<vmem_shared>>) target(%arg16 : memref<16x128xf32, #tpu.memory_space<vmem>>) target_semaphore(%run_scoped3A : memref<!tpu.dma_semaphore, #tpu.memory_space<semaphore_mem>>)
        tpu.wait_dma2 semaphore(%run_scoped3A : memref<!tpu.dma_semaphore, #tpu.memory_space<semaphore_mem>>) src(%arg19 : memref<16x128xf32, #tpu.memory_space<vmem_shared>>) dst(%arg16 : memref<16x128xf32, #tpu.memory_space<vmem>>)
        tpu.yield
      }) : () -> ()
      %broadcast_in_dim3A_35 = arith.constant 0.000000e+00 : f32
      %broadcast_in_dim3A_36 = vector.broadcast %broadcast_in_dim3A_35 : f32 to vector<16xf32>
      %scan3A_37 = arith.constant 0 : i32
      %scan3A_38 = arith.constant 16 : i32
      %scan3A_39 = arith.addi %scan3A_37, %scan3A_38 : i32
      %scan3A_40 = arith.constant 1 : i32
      %scan3A_41 = scf.for %scan3A_75 = %scan3A_37 to %scan3A_39 step %scan3A_40 iter_args(%scan3A_76 = %broadcast_in_dim3A_36) -> (vector<16xf32>)  : i32 {
        %get3A = arith.index_cast %scan3A_75 : i32 to index
        %get3A_77 = arith.constant 0 : index
        %get3A_78 = tpu.vector_load %arg16[%get3A, %get3A_77] {strides = array<i32>} : memref<16x128xf32, #tpu.memory_space<vmem>>, vector<1x16xf32>,
        %get3A_79 = vector.shape_cast %get3A_78 : vector<1x16xf32> to vector<16xf32>
        %add3A_80 = arith.addf %scan3A_76, %get3A_79 : vector<16xf32>
        scf.yield %add3A_80 : vector<16xf32>
      }
      %scan3A_42 = arith.constant 16 : i32
      %iota3A = tpu.iota {dimensions = array<i32: 0>} : vector<16xi32>
      %broadcast_in_dim3A_43 = arith.constant 8 : i32
      %broadcast_in_dim3A_44 = vector.broadcast %broadcast_in_dim3A_43 : i32 to vector<16xi32>
      %xor3A = arith.xori %iota3A, %broadcast_in_dim3A_44 : vector<16xi32>
      %broadcast_in_dim3A_45 = vector.shape_cast %xor3A : vector<16xi32> to vector<16x1xi32>
      %gather3A = vector.shape_cast %broadcast_in_dim3A_45 : vector<16x1xi32> to vector<16xi32>
      %gather3A_46 = tpu.dynamic_gather %scan3A_41[%gather3A] in [0] : vector<16xf32>, vector<16xi32> -> vector<16xf32>
      %add3A = arith.addf %scan3A_41, %gather3A_46 : vector<16xf32>
      %broadcast_in_dim3A_47 = arith.constant 4 : i32
      %broadcast_in_dim3A_48 = vector.broadcast %broadcast_in_dim3A_47 : i32 to vector<16xi32>
      %xor3A_49 = arith.xori %iota3A, %broadcast_in_dim3A_48 : vector<16xi32>
      %broadcast_in_dim3A_50 = vector.shape_cast %xor3A_49 : vector<16xi32> to vector<16x1xi32>
      %gather3A_51 = vector.shape_cast %broadcast_in_dim3A_50 : vector<16x1xi32> to vector<16xi32>
      %gather3A_52 = tpu.dynamic_gather %add3A[%gather3A_51] in [0] : vector<16xf32>, vector<16xi32> -> vector<16xf32>
      %add3A_53 = arith.addf %add3A, %gather3A_52 : vector<16xf32>
      %broadcast_in_dim3A_54 = arith.constant 2 : i32
      %broadcast_in_dim3A_55 = vector.broadcast %broadcast_in_dim3A_54 : i32 to vector<16xi32>
      %xor3A_56 = arith.xori %iota3A, %broadcast_in_dim3A_55 : vector<16xi32>
      %broadcast_in_dim3A_57 = vector.shape_cast %xor3A_56 : vector<16xi32> to vector<16x1xi32>
      %gather3A_58 = vector.shape_cast %broadcast_in_dim3A_57 : vector<16x1xi32> to vector<16xi32>
      %gather3A_59 = tpu.dynamic_gather %add3A_53[%gather3A_58] in [0] : vector<16xf32>, vector<16xi32> -> vector<16xf32>
      %add3A_60 = arith.addf %add3A_53, %gather3A_59 : vector<16xf32>
      %broadcast_in_dim3A_61 = arith.constant 1 : i32
      %broadcast_in_dim3A_62 = vector.broadcast %broadcast_in_dim3A_61 : i32 to vector<16xi32>
      %xor3A_63 = arith.xori %iota3A, %broadcast_in_dim3A_62 : vector<16xi32>
      %broadcast_in_dim3A_64 = vector.shape_cast %xor3A_63 : vector<16xi32> to vector<16x1xi32>
      %gather3A_65 = vector.shape_cast %broadcast_in_dim3A_64 : vector<16x1xi32> to vector<16xi32>
      %gather3A_66 = tpu.dynamic_gather %add3A_60[%gather3A_65] in [0] : vector<16xf32>, vector<16xi32> -> vector<16xf32>
      %add3A_67 = arith.addf %add3A_60, %gather3A_66 : vector<16xf32>
      %mul3A_68 = arith.constant 1.69542102E-6 : f32
      %mul3A_69 = vector.broadcast %mul3A_68 : f32 to vector<16xf32>
      %mul3A_70 = arith.mulf %add3A_67, %mul3A_69 : vector<16xf32>
      %swap3A_71 = arith.constant 0 : index
      %swap3A_72 = tpu.vector_load %arg17[%swap3A_71] {strides = array<i32>} : memref<128xf32, #tpu.memory_space<vmem>>, vector<16xf32>,
      %swap3A_73 = vector.shape_cast %swap3A_72 : vector<16xf32> to vector<16xf32>
      %swap3A_74 = vector.shape_cast %mul3A_70 : vector<16xf32> to vector<16xf32>
      tpu.vector_store %arg17[%swap3A_71], %swap3A_74 {strides = array<i32>} : memref<128xf32, #tpu.memory_space<vmem>>, vector<16xf32>,
      "tpu.region"() ({
        %run_scoped3A = tpu.sem_alloc : memref<!tpu.dma_semaphore, #tpu.memory_space<semaphore_mem>>
        tpu.enqueue_dma source(%arg17 : memref<128xf32, #tpu.memory_space<vmem>>) target(%arg9 : memref<128xf32, #tpu.memory_space<hbm>>) target_semaphore(%run_scoped3A : memref<!tpu.dma_semaphore, #tpu.memory_space<semaphore_mem>>)
        tpu.wait_dma2 semaphore(%run_scoped3A : memref<!tpu.dma_semaphore, #tpu.memory_space<semaphore_mem>>) src(%arg17 : memref<128xf32, #tpu.memory_space<vmem>>) dst(%arg9 : memref<128xf32, #tpu.memory_space<hbm>>)
        tpu.yield
      }) : () -> ()
    } else {
    }
    return
  }
}

module attributes {stable_mosaic.version = 14 : i64} {
  func.func @_tc_body(%arg0: i32, %arg1: memref<512x64xf32, #tpu.memory_space<vmem>>, %arg2: memref<1024x64xf32, #tpu.memory_space<vmem>>, %arg3: memref<1024x16xf32, #tpu.memory_space<vmem>>, %arg4: memref<512x1xi32, #tpu.memory_space<vmem>>, %arg5: memref<1024x16xf32, #tpu.memory_space<vmem>>, %arg6: memref<1024x16xf32, #tpu.memory_space<vmem>>, %arg7: memref<512x128xf32, #tpu.memory_space<vmem>>, %arg8: memref<1024x16xf32, #tpu.memory_space<vmem>>) attributes {dimension_semantics = [#tpu.dimension_semantics<arbitrary>], iteration_bounds = array<i64: 9>, scalar_prefetch = 0 : i64, scratch_operands = 1 : i64, tpu.core_type = #tpu.core_type<tc>, window_params = [{transform_indices = @transform_0, window_bounds = array<i64: 512, 64>}, {pipeline_mode = #tpu.pipeline_mode<synchronous>, transform_indices = @transform_1, window_bounds = array<i64: 1024, 64>}, {pipeline_mode = #tpu.pipeline_mode<synchronous>, transform_indices = @transform_2, window_bounds = array<i64: 1024, 16>}, {transform_indices = @transform_3, window_bounds = array<i64: 512, 1>}, {pipeline_mode = #tpu.pipeline_mode<synchronous>, transform_indices = @transform_4, window_bounds = array<i64: 1024, 16>}, {pipeline_mode = #tpu.pipeline_mode<synchronous>, transform_indices = @transform_5, window_bounds = array<i64: 1024, 16>}, {transform_indices = @transform_6, window_bounds = array<i64: 512, 128>}]} {
    %eq3A = arith.constant 0 : i32
    %eq3A_0 = arith.cmpi eq, %arg0, %eq3A : i32
    %convert_element_type3A = arith.extui %eq3A_0 : i1 to i32
    %cond3A = arith.constant 0 : i32
    %cond3A_1 = arith.cmpi ne, %convert_element_type3A, %cond3A : i32
    scf.if %cond3A_1 {
      %broadcast_in_dim3A_48 = arith.constant 0.000000e+00 : f32
      %broadcast_in_dim3A_49 = vector.broadcast %broadcast_in_dim3A_48 : f32 to vector<1024x16xf32>
      %swap3A_50 = arith.constant 0 : index
      %swap3A_51 = arith.constant 0 : index
      %swap3A_52 = vector.load %arg8[%swap3A_50, %swap3A_51] : memref<1024x16xf32, #tpu.memory_space<vmem>>, vector<1024x16xf32>
      tpu.vector_store %arg8[%swap3A_50, %swap3A_51], %broadcast_in_dim3A_49 {strides = array<i32>} : memref<1024x16xf32, #tpu.memory_space<vmem>>, vector<1024x16xf32>,
    } else {
    }
    %get3A = arith.constant 0 : index
    %get3A_2 = arith.constant 0 : index
    %get3A_3 = vector.load %arg2[%get3A, %get3A_2] : memref<1024x64xf32, #tpu.memory_space<vmem>>, vector<1024x64xf32>
    %mul3A = arith.mulf %get3A_3, %get3A_3 : vector<1024x64xf32>
    %reduce_sum3A = arith.constant dense<0.000000e+00> : vector<1024xf32>
    %reduce_sum3A_4 = vector.multi_reduction <add>, %mul3A, %reduce_sum3A [1] : vector<1024x64xf32> to vector<1024xf32>
    %broadcast_in_dim3A = vector.shape_cast %reduce_sum3A_4 : vector<1024xf32> to vector<1x1024xf32>
    %broadcast_in_dim3A_5 = arith.constant 1.000000e+00 : f32
    %broadcast_in_dim3A_6 = vector.broadcast %broadcast_in_dim3A_5 : f32 to vector<512x16xf32>
    %get3A_7 = arith.constant 0 : index
    %get3A_8 = arith.constant 0 : index
    %get3A_9 = vector.load %arg1[%get3A_7, %get3A_8] : memref<512x64xf32, #tpu.memory_space<vmem>>, vector<512x64xf32>
    %dot_general3A = arith.constant dense<0.000000e+00> : vector<512x1024xf32>
    %dot_general3A_10 = tpu.matmul %get3A_9, %get3A_3, %dot_general3A {dimension_numbers = #tpu.dot_dimension_numbers<[1], [1], [0], [0], [0, 0, 1, 0], [], []>, transpose_lhs_hint = false} : vector<512x64xf32>, vector<1024x64xf32>, vector<512x1024xf32> -> vector<512x1024xf32>
    %mul3A_11 = arith.constant -2.000000e+00 : f32
    %mul3A_12 = vector.broadcast %mul3A_11 : f32 to vector<512x1024xf32>
    %mul3A_13 = arith.mulf %mul3A_12, %dot_general3A_10 : vector<512x1024xf32>
    %add3A = vector.broadcast %broadcast_in_dim3A : vector<1x1024xf32> to vector<512x1024xf32>
    %add3A_14 = arith.addf %mul3A_13, %add3A : vector<512x1024xf32>
    %iota3A = tpu.iota {dimensions = array<i32: 1>} : vector<512x1024xi32>
    %reduce_min3A = arith.constant dense<0x7F800000> : vector<512xf32>
    %reduce_min3A_15 = vector.multi_reduction <minimumf>, %add3A_14, %reduce_min3A [1] : vector<512x1024xf32> to vector<512xf32>
    %broadcast_in_dim3A_16 = vector.shape_cast %reduce_min3A_15 : vector<512xf32> to vector<512x1xf32>
    %eq3A_17 = vector.broadcast %broadcast_in_dim3A_16 : vector<512x1xf32> to vector<512x1024xf32>
    %eq3A_18 = arith.cmpf oeq, %add3A_14, %eq3A_17 : vector<512x1024xf32>
    %jit3A = arith.constant 1024 : i32
    %broadcast_in_dim3A_19 = vector.broadcast %jit3A : i32 to vector<512x1024xi32>
    %select_n3A = arith.select %eq3A_18, %iota3A, %broadcast_in_dim3A_19 : vector<512x1024xi1>, vector<512x1024xi32>
    %reduce_min3A_20 = arith.constant dense<2147483647> : vector<512xi32>
    %reduce_min3A_21 = vector.multi_reduction <minsi>, %select_n3A, %reduce_min3A_20 [1] : vector<512x1024xi32> to vector<512xi32>
    %broadcast_in_dim3A_22 = vector.shape_cast %reduce_min3A_21 : vector<512xi32> to vector<512x1xi32>
    %swap3A = arith.constant 0 : index
    %swap3A_23 = arith.constant 0 : index
    %swap3A_24 = vector.load %arg4[%swap3A, %swap3A_23] : memref<512x1xi32, #tpu.memory_space<vmem>>, vector<512x1xi32>
    tpu.vector_store %arg4[%swap3A, %swap3A_23], %broadcast_in_dim3A_22 {strides = array<i32>} : memref<512x1xi32, #tpu.memory_space<vmem>>, vector<512x1xi32>,
    %eq3A_25 = vector.broadcast %broadcast_in_dim3A_22 : vector<512x1xi32> to vector<512x1024xi32>
    %eq3A_26 = arith.cmpi eq, %eq3A_25, %iota3A : vector<512x1024xi32>
    %convert_element_type3A_27 = arith.extui %eq3A_26 : vector<512x1024xi1> to vector<512x1024xi32>
    %convert_element_type3A_28 = arith.sitofp %convert_element_type3A_27 : vector<512x1024xi32> to vector<512x1024xf32>
    %get3A_29 = arith.constant 0 : index
    %get3A_30 = arith.constant 0 : index
    %get3A_31 = vector.load %arg8[%get3A_29, %get3A_30] : memref<1024x16xf32, #tpu.memory_space<vmem>>, vector<1024x16xf32>
    %dot_general3A_32 = arith.constant dense<0.000000e+00> : vector<1024x16xf32>
    %dot_general3A_33 = tpu.matmul %convert_element_type3A_28, %broadcast_in_dim3A_6, %dot_general3A_32 {dimension_numbers = #tpu.dot_dimension_numbers<[0], [0], [1], [1], [0, 1, 1, 1], [], []>, transpose_lhs_hint = false} : vector<512x1024xf32>, vector<512x16xf32>, vector<1024x16xf32> -> vector<1024x16xf32>
    %add3A_34 = arith.addf %get3A_31, %dot_general3A_33 : vector<1024x16xf32>
    %swap3A_35 = arith.constant 0 : index
    %swap3A_36 = arith.constant 0 : index
    %swap3A_37 = vector.load %arg8[%swap3A_35, %swap3A_36] : memref<1024x16xf32, #tpu.memory_space<vmem>>, vector<1024x16xf32>
    tpu.vector_store %arg8[%swap3A_35, %swap3A_36], %add3A_34 {strides = array<i32>} : memref<1024x16xf32, #tpu.memory_space<vmem>>, vector<1024x16xf32>,
    %broadcast_in_dim3A_38 = arith.constant 0.000000e+00 : f32
    %broadcast_in_dim3A_39 = vector.broadcast %broadcast_in_dim3A_38 : f32 to vector<512x64xf32>
    %concatenate3A = tpu.concatenate %get3A_9, %broadcast_in_dim3A_39 in 1 : vector<512x64xf32>, vector<512x64xf32> -> vector<512x128xf32>
    %swap3A_40 = arith.constant 0 : index
    %swap3A_41 = arith.constant 0 : index
    %swap3A_42 = vector.load %arg7[%swap3A_40, %swap3A_41] : memref<512x128xf32, #tpu.memory_space<vmem>>, vector<512x128xf32>
    tpu.vector_store %arg7[%swap3A_40, %swap3A_41], %concatenate3A {strides = array<i32>} : memref<512x128xf32, #tpu.memory_space<vmem>>, vector<512x128xf32>,
    %eq3A_43 = arith.constant 8 : i32
    %eq3A_44 = arith.cmpi eq, %arg0, %eq3A_43 : i32
    %convert_element_type3A_45 = arith.extui %eq3A_44 : i1 to i32
    %cond3A_46 = arith.constant 0 : i32
    %cond3A_47 = arith.cmpi ne, %convert_element_type3A_45, %cond3A_46 : i32
    scf.if %cond3A_47 {
      %get3A_48 = arith.constant 0 : index
      %get3A_49 = arith.constant 0 : index
      %get3A_50 = vector.load %arg3[%get3A_48, %get3A_49] : memref<1024x16xf32, #tpu.memory_space<vmem>>, vector<1024x16xf32>
      %mul3A_51 = arith.constant 9.900000e-01 : f32
      %mul3A_52 = vector.broadcast %mul3A_51 : f32 to vector<1024x16xf32>
      %mul3A_53 = arith.mulf %mul3A_52, %get3A_50 : vector<1024x16xf32>
      %get3A_54 = arith.constant 0 : index
      %get3A_55 = arith.constant 0 : index
      %get3A_56 = vector.load %arg8[%get3A_54, %get3A_55] : memref<1024x16xf32, #tpu.memory_space<vmem>>, vector<1024x16xf32>
      %mul3A_57 = arith.constant 0.00999999977 : f32
      %mul3A_58 = vector.broadcast %mul3A_57 : f32 to vector<1024x16xf32>
      %mul3A_59 = arith.mulf %mul3A_58, %get3A_56 : vector<1024x16xf32>
      %add3A_60 = arith.addf %mul3A_53, %mul3A_59 : vector<1024x16xf32>
      %swap3A_61 = arith.constant 0 : index
      %swap3A_62 = arith.constant 0 : index
      %swap3A_63 = vector.load %arg5[%swap3A_61, %swap3A_62] : memref<1024x16xf32, #tpu.memory_space<vmem>>, vector<1024x16xf32>
      tpu.vector_store %arg5[%swap3A_61, %swap3A_62], %add3A_60 {strides = array<i32>} : memref<1024x16xf32, #tpu.memory_space<vmem>>, vector<1024x16xf32>,
      %div3A = arith.constant 1.000000e+00 : f32
      %div3A_64 = vector.broadcast %div3A : f32 to vector<1024x16xf32>
      %div3A_65 = arith.divf %div3A_64, %add3A_60 : vector<1024x16xf32>
      %swap3A_66 = arith.constant 0 : index
      %swap3A_67 = arith.constant 0 : index
      %swap3A_68 = vector.load %arg6[%swap3A_66, %swap3A_67] : memref<1024x16xf32, #tpu.memory_space<vmem>>, vector<1024x16xf32>
      tpu.vector_store %arg6[%swap3A_66, %swap3A_67], %div3A_65 {strides = array<i32>} : memref<1024x16xf32, #tpu.memory_space<vmem>>, vector<1024x16xf32>,
    } else {
    }
    return
  }
  func.func @transform_0(%arg0: i32) -> (i32, i32) {
    %c0_i32 = arith.constant 0 : i32
    %c0_i32_0 = arith.constant 0 : i32
    return %arg0, %c0_i32 : i32, i32
  }
  func.func @transform_1(%arg0: i32) -> (i32, i32) {
    %c0_i32 = arith.constant 0 : i32
    %c0_i32_0 = arith.constant 0 : i32
    %c0_i32_1 = arith.constant 0 : i32
    return %c0_i32, %c0_i32_0 : i32, i32
  }
  func.func @transform_2(%arg0: i32) -> (i32, i32) {
    %c0_i32 = arith.constant 0 : i32
    %c0_i32_0 = arith.constant 0 : i32
    %c0_i32_1 = arith.constant 0 : i32
    return %c0_i32, %c0_i32_0 : i32, i32
  }
  func.func @transform_3(%arg0: i32) -> (i32, i32) {
    %c0_i32 = arith.constant 0 : i32
    %c0_i32_0 = arith.constant 0 : i32
    return %arg0, %c0_i32 : i32, i32
  }
  func.func @transform_4(%arg0: i32) -> (i32, i32) {
    %c0_i32 = arith.constant 0 : i32
    %c0_i32_0 = arith.constant 0 : i32
    %c0_i32_1 = arith.constant 0 : i32
    return %c0_i32, %c0_i32_0 : i32, i32
  }
  func.func @transform_5(%arg0: i32) -> (i32, i32) {
    %c0_i32 = arith.constant 0 : i32
    %c0_i32_0 = arith.constant 0 : i32
    %c0_i32_1 = arith.constant 0 : i32
    return %c0_i32, %c0_i32_0 : i32, i32
  }
  func.func @transform_6(%arg0: i32) -> (i32, i32) {
    %c0_i32 = arith.constant 0 : i32
    %c0_i32_0 = arith.constant 0 : i32
    return %arg0, %c0_i32 : i32, i32
  }
}

</mosaic_0001>

<sc_bundles>
// kernel: kernel.4.cloned.1.call-start
scs
__scs_entry_jumppad:
0x0: {  	(pc) =	sbr.rel $0x88, $3  }
0x1: {  	(tag) =	ssettag $0x0;
	lr =	simm.s32 $0x1  }
0x2: {  	[smem:$0x3F9D] =	sst lr;
	_ =	strace $0xD0000000  }
0x3: {  	_ = 	snop  }
0x4: {  	_ = 	snop  }
0x5: {  	_ = 	snop  }
0x6: {  	_ = 	snop  }
0x7: {  	_ = 	snop  }
__scs_overlays_trampoline_lowered:
0x8: {  	[smem:$0x3FAC] =	sst s0  }
0x9: {  	[smem:$0x3FAD] =	sst s1  }
0xa: {  	[smem:$0x3FAE] =	sst s2  }
0xb: {  	[smem:$0x3FAF] =	sst s3  }
0xc: {  	[smem:$0x3FB0] =	sst s4  }
0xd: {  	[smem:$0x3FB1] =	sst s5  }
0xe: {  	[smem:$0x3FB2] =	sst s6  }
0xf: {  	[smem:$0x3FB3] =	sst s7  }
0x10: {  	[smem:$0x3FB4] =	sst s8  }
0x11: {  	[smem:$0x3FB5] =	sst s9;
	s0 =	simm.s32 @!p0 $0x0  }
0x12: {  	s1 =	sld [smem:$0x3F9B];
	s0 =	simm.s32 @p0 $0x1  }
0x13: {  	[smem:$0x3FB6] =	sst s0;
	s0 =	simm.s32 @!p1 $0x0  }
0x14: {  	s2 =	sld [smem:$0x3F9A];
	s0 =	simm.s32 @p1 $0x1  }
0x15: {  	[smem:$0x3FB7] =	sst s0;
	s0 =	simm.s32 @!p2 $0x0  }
0x16: {  	s3 =	sld [smem:$0x3FDB];
	s0 =	simm.s32 @p2 $0x1  }
0x17: {  	s4 =	simm.s32 $0x1BF5;
	[smem:$0x3FB9] =	sst s0  }
0x18: {  	s0 =	sld [smem:$0x3F9C];
	_ =	swait.ge [sflag:s4], $0x0  }
0x19: {  	s7 =	sld [smem:$0x3F9D]  }
0x1a: {  	s8 =	sadd.s32 $0xFFFFE003, lr  }
0x1b: {  	s9 =	sadd.s32 $0xFFFFFEF7, lr;
	s5 =	simm.s32 $0xFFFFFFFF;
	p2 =	slt.u32 s8, $0xFFFFF086  }
0x1c: {  	p1 =	slt.u32 s9, $0xF7A;
	s5 =	simm.s32 @!p2 $0x0  }
0x1d: {  	s5 =	simm.s32 @p1 $0x1;
	p0 =	seq.s32 s7, s2  }
0x1e: {  	s7 =	smul.u32 @!p0 $0xF7A, s2;
	p2 =	seq.s32 @!p0 s5, $0x0  }
0x1f: {  	s9 =	smul.u32 $0xF7A, s1;
	s8 =	simm.s32 @!p0 $0x1BF5;
	p2 =	por !p2, p0  }
0x20: {  	[sflag:s8] =	ssyncset.s32 @!p0 $0xFFFFF086;
	s6 =	sadd.s32 @!p0 s3, s7;
	s7 =	simm.s32 @!p0 $0x108  }
0x21: {  	s3 =	sadd.s32 s3, s9;
	s6 =	sadd.s32 @!p0 $0x88, s6;
	s7 =	simm.s32 @p2 $0x1082  }
0x22: {  	[simem:s7], [sflag:s8] =	dma.local @!p0 [hbm:s6], $0xF7A  }
0x23: {  	s9 =	sor.u32 $0xD0000000, s2;
	s6 =	simm.s32 $0x108;
	_ =	swait.ge @!p0 [sflag:s8], $0x0  }
0x24: {  	s3 =	sadd.s32 $0x88, s3;
	s6 =	simm.s32 @!p1 $0x1082;
	[sflag:s4] =	ssyncset.s32 $0xFFFFF086  }
0x25: {  	[simem:s6], [sflag:s4] =	dma.local [hbm:s3], $0xF7A  }
0x26: {  	[smem:$0x3F9D] =	sst s1;
	(tag) =	ssettag s2;
	_ =	strace s9  }
0x27: {  	s1 =	sld [smem:$0x3FAD]  }
0x28: {  	s2 =	sld [smem:$0x3FAE]  }
0x29: {  	s4 =	sld [smem:$0x3FB0]  }
0x2a: {  	p0 =	seq.s32 s5, $0x0;
	s5 =	sld [smem:$0x3FB1]  }
0x2b: {  	s6 =	sld [smem:$0x3FB2]  }
0x2c: {  	s7 =	sld [smem:$0x3FB3]  }
0x2d: {  	s3 =	simm.s32 $0x108;
	s8 =	sld [smem:$0x3FB4]  }
0x2e: {  	s3 =	simm.s32 @!p0 $0x1082;
	s9 =	sld [smem:$0x3FB5]  }
0x2f: {  	lr =	sadd.s32 s0, s3;
	s0 =	sld [smem:$0x3FAC]  }
0x30: {  	s3 =	sld [smem:$0x3FAF]  }
0x31: {  	[smem:$0x3FB8] =	sst s10  }
0x32: {  	s10 =	sld [smem:$0x3FB6];
	_ =	sdelay $0x3  }
0x33: {  	p0 =	seq.s32 s10, $0x1;
	s10 =	sld [smem:$0x3FB8];
	_ =	sdelay $0x3  }
0x34: {  	[smem:$0x3FB8] =	sst s10  }
0x35: {  	s10 =	sld [smem:$0x3FB7];
	_ =	sdelay $0x3  }
0x36: {  	p1 =	seq.s32 s10, $0x1;
	s10 =	sld [smem:$0x3FB8];
	_ =	sdelay $0x3  }
0x37: {  	[smem:$0x3FB8] =	sst s10  }
0x38: {  	s10 =	sld [smem:$0x3FB9]  }
0x39: {  	_ = 	snop;
	(pc) =	sbr.ind lr, $3  }
0x3a: {  	_ = 	snop  }
0x3b: {  	_ = 	snop  }
0x3c: {  	p2 =	seq.s32 s10, $0x1;
	s10 =	sld [smem:$0x3FB8]  }
0x3d: {  	_ =	shalt  }
0x3e: {  	_ =	shalt  }
0x3f: {  	_ =	shalt  }
0x40: {  	_ =	shalt  }
0x41: {  	_ =	shalt  }
0x42: {  	_ =	shalt  }
0x43: {  	_ =	shalt  }
0x44: {  	_ =	shalt  }
0x45: {  	_ =	shalt  }
0x46: {  	_ =	shalt  }
0x47: {  	_ =	shalt  }
0x48: {  	_ =	shalt  }
0x49: {  	_ =	shalt  }
0x4a: {  	_ =	shalt  }
0x4b: {  	_ =	shalt  }
0x4c: {  	_ =	shalt  }
0x4d: {  	_ =	shalt  }
0x4e: {  	_ =	shalt  }
0x4f: {  	_ =	shalt  }
0x50: {  	_ =	shalt  }
0x51: {  	_ =	shalt  }
0x52: {  	_ =	shalt  }
0x53: {  	_ =	shalt  }
0x54: {  	_ =	shalt  }
0x55: {  	_ =	shalt  }
0x56: {  	_ =	shalt  }
0x57: {  	_ =	shalt  }
0x58: {  	_ =	shalt  }
0x59: {  	_ =	shalt  }
0x5a: {  	_ =	shalt  }
0x5b: {  	_ =	shalt  }
0x5c: {  	_ =	shalt  }
0x5d: {  	_ =	shalt  }
0x5e: {  	_ =	shalt  }
0x5f: {  	_ =	shalt  }
0x60: {  	_ =	shalt  }
0x61: {  	_ =	shalt  }
0x62: {  	_ =	shalt  }
0x63: {  	_ =	shalt  }
0x64: {  	_ =	shalt  }
0x65: {  	_ =	shalt  }
0x66: {  	_ =	shalt  }
0x67: {  	_ =	shalt  }
0x68: {  	_ =	shalt  }
0x69: {  	_ =	shalt  }
0x6a: {  	_ =	shalt  }
0x6b: {  	_ =	shalt  }
0x6c: {  	_ =	shalt  }
0x6d: {  	_ =	shalt  }
0x6e: {  	_ =	shalt  }
0x6f: {  	_ =	shalt  }
0x70: {  	_ =	shalt  }
0x71: {  	_ =	shalt  }
0x72: {  	_ =	shalt  }
0x73: {  	_ =	shalt  }
0x74: {  	_ =	shalt  }
0x75: {  	_ =	shalt  }
0x76: {  	_ =	shalt  }
0x77: {  	_ =	shalt  }
0x78: {  	_ =	shalt  }
0x79: {  	_ =	shalt  }
0x7a: {  	_ =	shalt  }
0x7b: {  	_ =	shalt  }
0x7c: {  	_ =	shalt  }
0x7d: {  	_ =	shalt  }
0x7e: {  	_ =	shalt  }
0x7f: {  	_ =	shalt  }
0x80: {  	_ =	shalt  }
0x81: {  	_ =	shalt  }
0x82: {  	_ =	shalt  }
0x83: {  	_ =	shalt  }
0x84: {  	_ =	shalt  }
0x85: {  	_ =	shalt  }
0x86: {  	_ =	shalt  }
0x87: {  	_ =	shalt  }
.Lfunc_end0:
.L_simem_size_0:
called_computation_lowered:
.L_overlay_start_0:
0x88: {  	s0 =	sld [smem:$0x3FD9]  }
0x89: {  	s1 =	sld [smem:$0x3FFE];
	_ =	sdelay $0x3  }
0x8a: {  	s0 =	sadd.s32 s1, s0  }
0x8b: {  	[smem:$0x3FC4] =	sst s0  }
0x8c: {  	_ = 	snop  }
0x8d: {  	s0 =	sld [smem:$0x3FD0];
	_ =	sdelay $0x2  }
0x8e: {  	s13 =	simm.s32 $0xA;
	s2 =	simm.s32 $0x10  }
0x8f: {  	[smem:s2], [sflag:s13] =	dma.local [hbm:s0], $0x1  }
0x90: {  	_ =	swait.eq [sflag:s13], $0x1  }
0x91: {  	s14 =	sld [smem:$0x10];
	[sflag:s13] =	ssyncset.done $0x0  }
0x92: {  	s15 =	sld [smem:$0x11];
	[sflag:s13] =	ssyncadd.s32 $0xFFFFFFFF  }
0x93: {  	s16 =	sld [smem:$0x15];
	(tm) =	ssettm $0x1  }
0x94: {  	s3 =	sld [smem:$0x3FFB];
	_ =	sdelay $0x3  }
0x95: {  	_ =	strace s3  }
0x96: {  	s3 =	sld [smem:$0x3FFC];
	_ =	sdelay $0x3  }
0x97: {  	_ =	strace s3  }
0x98: {  	s3 =	sld [smem:$0x3FFD];
	_ =	sdelay $0x3  }
0x99: {  	_ =	strace s3  }
0x9a: {  	_ =	strace $0x8FFFFFFF  }
0x9b: {  	s17 =	sld [smem:$0x3FDB];
	_ =	sdelay $0x1  }
0x9c: {  	s4 =	simm.s32 $_scs_section_size  }
0x9d: {  	s5 =	simm.s32 $_size__tile_overlayer_lowered;
	s6 =	simm.s32 $_tile_overlayer_lowered  }
0x9e: {  	s20 =	simm.s32 $0x1BFF;
	s19 =	sshll.u32 s6, $0x1;
	s3 =	sadd.s32 s4, s17  }
0x9f: {  	s7 =	simm.s32 $0x0;
	s18 =	sshll.u32 s5, $0x1;
	s5 =	sadd.s32 s19, s3  }
0xa0: {  	[timem:s7], [sflag:s20] =	dma.local [hbm:s5], s18  }
0xa1: {  	_ =	swait.ge [sflag:s20], s18  }
0xa2: {  	s4 =	ssub.s32 $0x0, s18;
	[sflag:s20] =	ssyncset.done $0x0  }
0xa3: {  	[sflag:s20] =	ssyncadd.s32 s4;
	_ =	sdelay $0x1  }
0xa4: {  	s21 =	simm.s32 $0x1B8B  }
0xa5: {  	_ =	swait.ge [sflag:s21], $0x1  }
0xa6: {  	[sflag:s21] =	ssyncset.done $0x0  }
0xa7: {  	s23 =	simm.s32 $0x1B8E;
	s22 =	sld [smem:$0x3FFE];
	[sflag:s21] =	ssyncadd.s32 $0xFFFFFFFF  }
0xa8: {  	s24 =	simm.s32 $execute0_lowered;
	[smem:$0x3FD2] =	sst s23  }
0xa9: {  	s5 =	sshll.u32 s24, $0x1;
	_ =	strace $0x80000046;
	[dreg:$0x1] =	wrdreg $0xFFFFFFFF  }
0xaa: {  	s25 =	simm.s32 $_size_execute0_lowered;
	s3 =	sadd.s32 s3, s5;
	[dreg:$0x0] =	wrdreg $0x0  }
0xab: {  	s5 =	sshll.u32 s25, $0x1;
	[dreg:$0x2] =	wrdreg s3  }
0xac: {  	[dreg:$0x3] =	wrdreg s5  }
0xad: {  	[dreg:$0x4] =	wrdreg $0xC0  }
0xae: {  	_ =	task [dreg:s7], $0x5FFFF  }
0xaf: {  	[dreg:$0x1] =	wrdreg $0xFFFFFFFF  }
0xb0: {  	[dreg:$0x0] =	wrdreg $0x60  }
0xb1: {  	[dreg:$0x2] =	wrdreg s22  }
0xb2: {  	[dreg:$0x3] =	wrdreg s16  }
0xb3: {  	[dreg:$0x4] =	wrdreg s14  }
0xb4: {  	[dreg:$0x5] =	wrdreg s15  }
0xb5: {  	[dreg:$0x6] =	wrdreg $0x18A000  }
0xb6: {  	[dreg:$0x7] =	wrdreg $0x1AA000  }
0xb7: {  	[dreg:$0x8] =	wrdreg $0x9  }
0xb8: {  	_ =	task.clear_ibuf [dreg:s7], $0x9FFFF;
	_ =	strace $0x90000046  }
0xb9: {  	s26 =	simm.s32 $0x9;
	_ =	strace $0x80000048  }
0xba: {  	_ =	swait.ge [sflag:s26], $0x1  }
0xbb: {  	[sflag:s26] =	ssyncadd.s32 $0xFFFFFFFF  }
0xbc: {  	_ =	strace $0x90000048  }
0xbd: {  	_ =	sfence  }
0xbe: {  	s28 =	sld [smem:$0x0];
	_ =	sdelay $0x1  }
0xbf: {  	s29 =	srdreg.scid  }
0xc0: {  	s30 =	sshll.u32 s29, $0xD;
	s31 =	sshrl.u32 s29, $0x2  }
0xc1: {  	s1 =	sand.u32 $0x1, s29;
	s2 =	sand.u32 $0x4000, s30;
	s0 =	sadd.s32 s31, s28  }
0xc2: {  	s1 =	sor.u32 s2, s1;
	s0 =	sshll.u32 s0, $0x11  }
0xc3: {  	s0 =	sor.u32 s0, s1  }
0xc4: {  	s0 =	sadd.s32 $0x8F2B, s0  }
0xc5: {  	[sflag:s0] =	ssyncadd.remote.s32 $0x1  }
0xc6: {  	_ =	sfence.sel $0xFFFF  }
0xc7: {  	[dreg:$0x0] =	wrdreg $0xFFFFFFFF;
	(pc) =	sbr.abs _section_cstart, $3  }
0xc8: {  	[dreg:$0x1] =	wrdreg $0xFFFFFFFF  }
0xc9: {  	_ =	task.clear_ibuf [dreg:s7], $0x2FFFF;
	_ =	strace $0x9FFFFFFF  }
0xca: {  	(tm) =	ssettm $0x7FFFFFFF  }
0xcb: {  	_ =	shalt  }
tec
execute0_lowered:
.L_overlay_start_1:
0x0: {  	(tag) =	ssettag $0x1  }
0x1: {  	s7 =	rddreg [dreg:$0x0]  }
0x2: {  	s6 =	rddreg [dreg:$0x1]  }
0x3: {  	s11 =	rddreg [dreg:$0x2]  }
0x4: {  	s1 =	rddreg [dreg:$0x3]  }
0x5: {  	s5 =	rddreg [dreg:$0x4];
	s3 =	stileid.u32  }
0x6: {  	s2 =	rddreg [dreg:$0x5];
	s4 =	smul.u32 $0x1200, s3  }
0x7: {  	s0 =	rddreg [dreg:$0x6];
	s8 =	simm.s32 $0x0  }
0x8: {  	[smem:$0x7FF] =	sst s8;
	s9 =	sadd.s32 s4, s7  }
0x9: {  	s30 =	simm.s32 $0x2;
	_ =	strace $0x80000047;
	s9 =	sadd.s32 $0x5000, s9  }
0xa: {  	[tilespmem:s8], [sflag:$0x2] =	stream.linear.gather [hbm4b:s9+s8], $0x9000, $0x38;
	[tilespmem:$0x1AA80] =	vst v63  }
0xb: {  	s10 =	smul.u32 $0x24, s3;
	_ =	swait.ge [sflag:s30], $0x9000  }
0xc: {  	[sflag:s30] =	ssyncset.done $0x0  }
0xd: {  	s31 =	simm.s32 $0x9000;
	s6 =	sadd.s32 s6, s10;
	[sflag:s30] =	ssyncadd.s32 $0xFFFF7000  }
0xe: {  	[tilespmem:s31], [sflag:$0x2] =	stream.linear.gather [hbm4b:s6+s8], $0x120, $0x38;
	[tilespmem:$0x1AA80] =	vst v63  }
0xf: {  	s12 =	sadd.s32 $0x1000, s7;
	s10 =	simm.s32 $0x200;
	_ =	swait.ge [sflag:s30], $0x120  }
0x10: {  	s9 =	simm.s32 $0x0;
	s6 =	sadd.s32 $0x17000, s7;
	[sflag:s30] =	ssyncset.done $0x0  }
0x11: {  	v0 =	vimm.f32 $0.0e+00;
	s8 =	sadd.s32 $0x29000, s7;
	s7 =	sadd.s32 $0x2D000, s7;
	[sflag:s30] =	ssyncadd.s32 $0xFFFFFEE0  }
.LBB2_1:
0x12: {  	p0 =	sne.s32 s10, $0x7E00;
	[tilespmem:s9+$0x121B0] =	vst v0;
	s13 =	smov.u32 s10;
	s10 =	sadd.s32 $0x200, s10  }
.Ltmp0:
0x13: {  	[tilespmem:s9+$0x121A0] =	vst v0;
	(pc) =	sbr.rel @p0 .LBB2_1-.Ltmp0, $3  }
0x14: {  	[tilespmem:s9+$0x12180] =	vst v0  }
0x15: {  	[tilespmem:s9+$0x12190] =	vst v0;
	_ =	sdelay $0x1  }
0x16: {  	s9 =	sshra.s32 s13, $0x2  }
0x17: {  	[tilespmem:s9+$0x121B0] =	vst v0  }
0x18: {  	[tilespmem:s9+$0x121A0] =	vst v0  }
0x19: {  	[tilespmem:s9+$0x12180] =	vst v0;
	s10 =	sshll.u32 s3, $0xD  }
0x1a: {  	[tilespmem:s9+$0x12190] =	vst v0;
	s28 =	simm.s32 $0x12180;
	s13 =	simm.s32 $0x2;
	s9 =	sadd.s32 s10, s5  }
0x1b: {  	[spmem:s9] =	stream.linear.scatter [tilespmem:s28], [sflag:$0x2], $0x2000, $0x38;
	[tilespmem:$0x1AA80] =	vst v63  }
0x1c: {  	_ =	swait.ge [sflag:s13], $0x2000  }
0x1d: {  	[sflag:s13] =	ssyncset.done $0x0  }
0x1e: {  	s14 =	simm.s32 $0x120;
	[sflag:s13] =	ssyncadd.s32 $0xFFFFE000  }
0x1f: {  	s15 =	simm.s32 $0x9000;
	s16 =	simm.s32 $0x0;
	[bflag:$0x0] =	sbarrier.arrive $0xFFFF  }
0x20: {  	[spmem:s5] =	stream.indirect.scatter.add.f32 [tilespmem:s16], [sflag:$0x2], $0x80, s15, s14, $0xb8;
	[tilespmem:$0x1AA80] =	vst v63  }
0x21: {  	_ =	swait.ge [sflag:s13], $0x9000  }
0x22: {  	[sflag:s13] =	ssyncset.done $0x0  }
0x23: {  	[sflag:s13] =	ssyncadd.s32 $0xFFFF7000  }
0x24: {  	[bflag:$0x0] =	sbarrier.arrive $0xFFFF  }
0x25: {  	[tilespmem:s28], [sflag:$0x2] =	stream.linear.gather [spmem:s9], $0x2000, $0x38;
	[tilespmem:$0x1AA80] =	vst v63  }
0x26: {  	_ =	swait.ge [sflag:s13], $0x2000  }
0x27: {  	s10 =	sshll.u32 s3, $0xA;
	[sflag:s13] =	ssyncset.done $0x0  }
0x28: {  	s29 =	simm.s32 $0x14180;
	s11 =	sadd.s32 s11, s10;
	[sflag:s13] =	ssyncadd.s32 $0xFFFFE000  }
0x29: {  	[tilespmem:s29], [sflag:$0x2] =	stream.linear.gather [hbm4b:s11+s16], $0x2000, $0x38;
	[tilespmem:$0x1AA80] =	vst v63  }
0x2a: {  	_ =	swait.ge [sflag:s13], $0x2000  }
0x2b: {  	[sflag:s13] =	ssyncset.done $0x0  }
0x2c: {  	s31 =	simm.s32 $0x16180;
	s30 =	sadd.s32 s12, s10;
	[sflag:s13] =	ssyncadd.s32 $0xFFFFE000  }
0x2d: {  	[tilespmem:s31], [sflag:$0x2] =	stream.linear.gather [hbm4b:s30+s16], $0x2000, $0x38;
	[tilespmem:$0x1AA80] =	vst v63  }
0x2e: {  	_ =	swait.ge [sflag:s13], $0x2000  }
0x2f: {  	[sflag:s13] =	ssyncset.done $0x0  }
0x30: {  	[sflag:s13] =	ssyncadd.s32 $0xFFFFE000;
	s13 =	simm.s32 $0x0  }
0x31: {  	v1 =	vld [tilespmem:s13+$0x141B0]  }
0x32: {  	v2 =	vld [tilespmem:s13+$0x121B0]  }
0x33: {  	v0 =	vld [tilespmem:s13+$0x16180]  }
0x34: {  	v3 =	vld [tilespmem:s13+$0x14190]  }
0x35: {  	v4 =	vld [tilespmem:s13+$0x141A0]  }
0x36: {  	v5 =	vld [tilespmem:s13+$0x12190]  }
0x37: {  	v6 =	vld [tilespmem:s13+$0x121A0];
	v1 =	vmul.f32 $9.900000090e-01, v1;
	v2 =	vmul.f32 $9.999999770e-03, v2  }
0x38: {  	v7 =	vld [tilespmem:s13+$0x14180]  }
0x39: {  	v8 =	vld [tilespmem:s13+$0x12180];
	v1 =	vadd.f32 v2, v1;
	_ =	sdelay $0x1  }
0x3a: {  	s12 =	simm.s32 $0x80;
	v5 =	vmul.f32 $9.999999770e-03, v5;
	[tilespmem:s13+$0x141B0] =	vst v1  }
0x3b: {  	v2 =	vmul.f32 $9.900000090e-01, v3;
	v9 =	vmul.f32 v1, v0;
	v1 =	vld [tilespmem:s12+$0x141B0]  }
0x3c: {  	v10 =	vmul.f32 $9.999999770e-03, v6;
	v3 =	vmul.f32 $9.900000090e-01, v4  }
0x3d: {  	v6 =	vmul.f32 $9.999999770e-03, v8;
	v4 =	vmul.f32 $9.900000090e-01, v7;
	v5 =	vadd.f32 v5, v2;
	[tilespmem:s13+$0x121B0] =	vst v9  }
0x3e: {  	s14 =	simm.s32 $0x600;
	s11 =	simm.s32 $0x100;
	v3 =	vadd.f32 v10, v3;
	v2 =	vld [tilespmem:s12+$0x121B0]  }
.LBB2_3:
0x3f: {  	p0 =	sne.s32 s14, $0x7E00;
	v7 =	vld [tilespmem:s12+$0x16180];
	v4 =	vadd.f32 v6, v4;
	[tilespmem:s13+$0x14190] =	vst v5;
	v5 =	vmul.f32 v5, v0;
	s15 =	smov.u32 s14;
	s14 =	sadd.s32 $0x200, s14  }
0x40: {  	s15 =	sshra.s32 s15, $0x2;
	v6 =	vld [tilespmem:s12+$0x14190];
	v1 =	vmul.f32 $9.900000090e-01, v1;
	[tilespmem:s13+$0x141A0] =	vst v3;
	v3 =	vmul.f32 v3, v0  }
0x41: {  	v8 =	vld [tilespmem:s12+$0x141A0];
	[tilespmem:s13+$0x14180] =	vst v4;
	v9 =	vmul.f32 v4, v0  }
0x42: {  	v4 =	vld [tilespmem:s12+$0x14180];
	[tilespmem:s13+$0x12190] =	vst v5  }
0x43: {  	v5 =	vld [tilespmem:s12+$0x12190];
	v2 =	vmul.f32 $9.999999770e-03, v2;
	[tilespmem:s13+$0x121A0] =	vst v3  }
0x44: {  	v3 =	vld [tilespmem:s12+$0x121A0];
	[tilespmem:s13+$0x12180] =	vst v9;
	v0 =	vmov v7;
	s13 =	smov.u32 s12;
	s12 =	smov.u32 s11;
	s11 =	smov.u32 s15  }
0x45: {  	v7 =	vld [tilespmem:s13+$0x12180];
	v2 =	vadd.f32 v2, v1;
	_ =	sdelay $0x1  }
.Ltmp1:
0x46: {  	v9 =	vmul.f32 $9.900000090e-01, v6;
	v8 =	vmul.f32 $9.900000090e-01, v8;
	[tilespmem:s13+$0x141B0] =	vst v2;
	(pc) =	sbr.rel @p0 .LBB2_3-.Ltmp1, $4  }
0x47: {  	v2 =	vmul.f32 v2, v0;
	v1 =	vld [tilespmem:s12+$0x141B0];
	v5 =	vmul.f32 $9.999999770e-03, v5  }
0x48: {  	v3 =	vmul.f32 $9.999999770e-03, v3  }
0x49: {  	v4 =	vmul.f32 $9.900000090e-01, v4;
	v6 =	vmul.f32 $9.999999770e-03, v7;
	v5 =	vadd.f32 v5, v9;
	[tilespmem:s13+$0x121B0] =	vst v2  }
0x4a: {  	v2 =	vld [tilespmem:s12+$0x121B0];
	v3 =	vadd.f32 v3, v8  }
0x4b: {  	v7 =	vld [tilespmem:s12+$0x16180];
	[tilespmem:s13+$0x14190] =	vst v5;
	v4 =	vadd.f32 v6, v4  }
0x4c: {  	v5 =	vmul.f32 v5, v0;
	v8 =	vld [tilespmem:s12+$0x14190];
	[tilespmem:s13+$0x141A0] =	vst v3  }
0x4d: {  	v3 =	vmul.f32 v3, v0;
	v6 =	vld [tilespmem:s12+$0x141A0];
	[tilespmem:s13+$0x14180] =	vst v4  }
0x4e: {  	v0 =	vmul.f32 v4, v0;
	v9 =	vld [tilespmem:s12+$0x14180];
	[tilespmem:s13+$0x12190] =	vst v5  }
0x4f: {  	v1 =	vmul.f32 $9.900000090e-01, v1;
	v5 =	vld [tilespmem:s12+$0x12190];
	v2 =	vmul.f32 $9.999999770e-03, v2;
	[tilespmem:s13+$0x121A0] =	vst v3  }
0x50: {  	v3 =	vld [tilespmem:s12+$0x121A0];
	[tilespmem:s13+$0x12180] =	vst v0  }
0x51: {  	v0 =	vadd.f32 v2, v1;
	v1 =	vld [tilespmem:s12+$0x12180];
	_ =	sdelay $0x1  }
0x52: {  	[tilespmem:s12+$0x141B0] =	vst v0;
	v0 =	vmul.f32 v0, v7  }
0x53: {  	v2 =	vmul.f32 $9.900000090e-01, v8;
	v5 =	vmul.f32 $9.999999770e-03, v5  }
0x54: {  	v4 =	vld [tilespmem:s11+$0x141B0];
	[tilespmem:s12+$0x121B0] =	vst v0;
	v0 =	vmul.f32 $9.900000090e-01, v6;
	v3 =	vmul.f32 $9.999999770e-03, v3  }
0x55: {  	v8 =	vmul.f32 $9.900000090e-01, v9;
	v2 =	vadd.f32 v5, v2;
	v1 =	vmul.f32 $9.999999770e-03, v1  }
0x56: {  	v5 =	vld [tilespmem:s11+$0x121B0];
	v0 =	vadd.f32 v3, v0  }
0x57: {  	v6 =	vld [tilespmem:s11+$0x16180];
	[tilespmem:s12+$0x14190] =	vst v2;
	v1 =	vadd.f32 v1, v8  }
0x58: {  	v2 =	vmul.f32 v2, v7;
	v3 =	vld [tilespmem:s11+$0x14190];
	[tilespmem:s12+$0x141A0] =	vst v0  }
0x59: {  	v0 =	vmul.f32 v0, v7;
	v8 =	vld [tilespmem:s11+$0x141A0];
	[tilespmem:s12+$0x14180] =	vst v1  }
0x5a: {  	v1 =	vmul.f32 v1, v7;
	v63 =	vld [tilespmem:s11+$0x14180];
	[tilespmem:s12+$0x12190] =	vst v2  }
0x5b: {  	v2 =	vld [tilespmem:s11+$0x12190];
	[tilespmem:s12+$0x121A0] =	vst v0  }
0x5c: {  	v0 =	vld [tilespmem:s11+$0x121A0];
	[tilespmem:s12+$0x12180] =	vst v1  }
0x5d: {  	v1 =	vmul.f32 $9.900000090e-01, v4;
	v4 =	vmul.f32 $9.999999770e-03, v5;
	v5 =	vld [tilespmem:s11+$0x12180];
	_ =	sdelay $0x1  }
0x5e: {  	v3 =	vmul.f32 $9.900000090e-01, v3;
	v1 =	vadd.f32 v4, v1  }
0x5f: {  	v4 =	vmul.f32 $9.900000090e-01, v8;
	v2 =	vmul.f32 $9.999999770e-03, v2  }
0x60: {  	v7 =	vmul.f32 v1, v6;
	v0 =	vmul.f32 $9.999999770e-03, v0  }
0x61: {  	[tilespmem:s11+$0x141B0] =	vst v1;
	v1 =	vmul.f32 $9.900000090e-01, v63;
	v5 =	vmul.f32 $9.999999770e-03, v5;
	v2 =	vadd.f32 v2, v3  }
0x62: {  	[tilespmem:s11+$0x121B0] =	vst v7;
	v0 =	vadd.f32 v0, v4  }
0x63: {  	v1 =	vadd.f32 v5, v1;
	[tilespmem:s11+$0x14190] =	vst v2  }
0x64: {  	v2 =	vmul.f32 v2, v6;
	[tilespmem:s11+$0x141A0] =	vst v0  }
0x65: {  	v0 =	vmul.f32 v0, v6;
	[tilespmem:s11+$0x14180] =	vst v1  }
0x66: {  	v1 =	vmul.f32 v1, v6;
	[tilespmem:s11+$0x12190] =	vst v2  }
0x67: {  	s8 =	sadd.s32 s8, s10;
	[tilespmem:s11+$0x121A0] =	vst v0  }
0x68: {  	s22 =	simm.s32 $0x0;
	s23 =	simm.s32 $0x14180;
	s24 =	simm.s32 $0x2;
	[tilespmem:s11+$0x12180] =	vst v1  }
0x69: {  	[hbm4b:s8+s22] =	stream.linear.scatter [tilespmem:s23], [sflag:$0x2], $0x2000, $0x38;
	[tilespmem:$0x1AA80] =	vst v63  }
0x6a: {  	_ =	swait.ge [sflag:s24], $0x2000  }
0x6b: {  	[sflag:s24] =	ssyncset.done $0x0  }
0x6c: {  	s7 =	sadd.s32 s7, s10;
	s25 =	simm.s32 $0x12180;
	[sflag:s24] =	ssyncadd.s32 $0xFFFFE000  }
0x6d: {  	[hbm4b:s7+s22] =	stream.linear.scatter [tilespmem:s25], [sflag:$0x2], $0x2000, $0x38;
	[tilespmem:$0x1AA80] =	vst v63  }
0x6e: {  	_ =	swait.ge [sflag:s24], $0x2000  }
0x6f: {  	[sflag:s24] =	ssyncset.done $0x0  }
0x70: {  	[sflag:s24] =	ssyncadd.s32 $0xFFFFE000  }
0x71: {  	[spmem:s9] =	stream.linear.scatter [tilespmem:s25], [sflag:$0x2], $0x2000, $0x38;
	[tilespmem:$0x1AA80] =	vst v63  }
0x72: {  	_ =	swait.ge [sflag:s24], $0x2000  }
0x73: {  	[sflag:s24] =	ssyncset.done $0x0  }
0x74: {  	s26 =	simm.s32 $0x120;
	s28 =	simm.s32 $0x9000;
	[sflag:s24] =	ssyncadd.s32 $0xFFFFE000  }
0x75: {  	s29 =	simm.s32 $0x9180;
	s30 =	simm.s32 $0x1;
	[bflag:$0x0] =	sbarrier.arrive $0xFFFF  }
0x76: {  	[tilespmem:s29], [sflag:$0x1] =	stream.indirect.gather [spmem:s5], $0x80, s28, s26, $0xb8;
	[tilespmem:$0x1AA80] =	vst v63  }
0x77: {  	_ =	swait.ge [sflag:s30], $0x9000  }
0x78: {  	[sflag:s30] =	ssyncset.done $0x0  }
0x79: {  	s4 =	sadd.s32 s6, s4;
	[sflag:s30] =	ssyncadd.s32 $0xFFFF7000  }
0x7a: {  	[hbm4b:s4+s22] =	stream.linear.scatter [tilespmem:s29], [sflag:$0x2], $0x9000, $0x38;
	[tilespmem:$0x1AA80] =	vst v63  }
0x7b: {  	_ =	swait.ge [sflag:s24], $0x9000  }
0x7c: {  	[sflag:s24] =	ssyncset.done $0x0  }
0x7d: {  	s31 =	simm.s32 $0x0;
	[sflag:s24] =	ssyncadd.s32 $0xFFFF7000  }
0x7e: {  	v0 =	vld [tilespmem:s31+$0x0]  }
0x7f: {  	v2 =	vld [tilespmem:s31+$0x9180]  }
0x80: {  	v7 =	vld [tilespmem:s31+$0x10]  }
0x81: {  	v8 =	vld [tilespmem:s31+$0x9190]  }
0x82: {  	v1 =	vld [tilespmem:s31+$0x20]  }
0x83: {  	v4 =	vld [tilespmem:s31+$0x91A0]  }
0x84: {  	v3 =	vld [tilespmem:s31+$0x91B0];
	v6 =	vsub.f32 v0, v2  }
0x85: {  	s4 =	simm.s32 $0x80;
	v0 =	vld [tilespmem:s31+$0x30]  }
0x86: {  	v5 =	vimm.f32 $0.0e+00;
	s5 =	simm.s32 $0x400;
	v2 =	vld [tilespmem:s4+$0x0];
	v7 =	vsub.f32 v7, v8;
	v6 =	vmul.f32 v6, v6  }
.LBB2_5:
0x87: {  	p0 =	sne.s32 s5, $0x23E00;
	v8 =	vld [tilespmem:s4+$0x9180]  }
0x88: {  	v9 =	vld [tilespmem:s4+$0x10];
	v5 =	vadd.f32 v6, v5;
	v6 =	vmul.f32 v7, v7;
	v4 =	vsub.f32 v1, v4  }
0x89: {  	v7 =	vld [tilespmem:s4+$0x9190]  }
.Ltmp2:
0x8a: {  	v1 =	vld [tilespmem:s4+$0x20];
	v5 =	vadd.f32 v6, v5;
	v6 =	vmul.f32 v4, v4;
	v3 =	vsub.f32 v0, v3;
	(pc) =	sbr.rel @p0 .LBB2_5-.Ltmp2, $4  }
0x8b: {  	v4 =	vld [tilespmem:s4+$0x91A0]  }
0x8c: {  	v8 =	vsub.f32 v2, v8;
	v0 =	vld [tilespmem:s4+$0x30];
	v5 =	vadd.f32 v6, v5;
	v10 =	vmul.f32 v3, v3  }
0x8d: {  	v3 =	vld [tilespmem:s4+$0x91B0];
	s4 =	sshra.s32 s5, $0x2  }
0x8e: {  	s5 =	sadd.s32 $0x200, s5;
	v2 =	vld [tilespmem:s4+$0x0];
	v6 =	vmul.f32 v8, v8;
	v7 =	vsub.f32 v9, v7;
	v5 =	vadd.f32 v10, v5  }
0x8f: {  	v8 =	vld [tilespmem:s4+$0x9180]  }
0x90: {  	v9 =	vld [tilespmem:s4+$0x10];
	v5 =	vadd.f32 v6, v5;
	v53 =	vmul.f32 v7, v7;
	v1 =	vsub.f32 v1, v4  }
0x91: {  	v54 =	vld [tilespmem:s4+$0x9190]  }
0x92: {  	v55 =	vld [tilespmem:s4+$0x20];
	v5 =	vadd.f32 v53, v5;
	v1 =	vmul.f32 v1, v1;
	v0 =	vsub.f32 v0, v3  }
0x93: {  	v56 =	vld [tilespmem:s4+$0x91A0]  }
0x94: {  	v57 =	vld [tilespmem:s4+$0x30];
	v2 =	vsub.f32 v2, v8;
	v1 =	vadd.f32 v1, v5;
	v0 =	vmul.f32 v0, v0  }
0x95: {  	v58 =	vld [tilespmem:s4+$0x91B0]  }
0x96: {  	v4 =	vsub.f32 v9, v54;
	v2 =	vmul.f32 v2, v2;
	v0 =	vadd.f32 v0, v1;
	_ =	sdelay $0x1  }
0x97: {  	v60 =	vsub.f32 v55, v56;
	v59 =	vmul.f32 v4, v4;
	v0 =	vadd.f32 v2, v0;
	_ =	sdelay $0x1  }
0x98: {  	v62 =	vsub.f32 v57, v58;
	v61 =	vmul.f32 v60, v60;
	v0 =	vadd.f32 v59, v0;
	_ =	sdelay $0x1  }
0x99: {  	v63 =	vmul.f32 v62, v62;
	v0 =	vadd.f32 v61, v0;
	_ =	sdelay $0x1  }
0x9a: {  	v0 =	vadd.f32 v63, v0  }
0x9b: {  	s31 =	sshll.u32 s3, $0x7  }
0x9c: {  	s5 =	simm.s32 $0x18980;
	s4 =	sadd.s32 s31, s2;
	[tilespmem:$0x18980] =	vst v0  }
0x9d: {  	[spmem:s4] =	stream.linear.scatter [tilespmem:s5], [sflag:$0x2], $0x80, $0x38;
	[tilespmem:$0x1AA80] =	vst v63  }
0x9e: {  	s4 =	simm.s32 $0x2  }
0x9f: {  	_ =	swait.ge [sflag:s4], $0x80  }
0xa0: {  	[sflag:s4] =	ssyncset.done $0x0  }
0xa1: {  	[sflag:s4] =	ssyncadd.s32 $0xFFFFFF80  }
0xa2: {  	p0 =	sne.s32 s3, $0x0;
	[bflag:$0x0] =	sbarrier.arrive $0xFFFF  }
0xa3: {  	_ =	sfence.sel @p0 $0x180000  }
0xa4: {  	[bflag:$0x0] =	sbarrier.arrive @p0 $0xFFFF  }
0xa5: {  	_ =	strace @p0 $0x90000047  }
0xa6: {  	[bflag:$0x2] =	sbarrier.arrive @p0 $0xFFFF  }
0xa7: {  	_ =	shalt @p0  }
.LBB2_7:
0xa8: {  	s3 =	simm.s32 $0x18180  }
0xa9: {  	[tilespmem:s3], [sflag:$0x2] =	stream.linear.gather [spmem:s2], $0x800, $0x38;
	[tilespmem:$0x1AA80] =	vst v63  }
0xaa: {  	_ =	swait.ge [sflag:s4], $0x800  }
0xab: {  	[sflag:s4] =	ssyncset.done $0x0  }
0xac: {  	[sflag:s4] =	ssyncadd.s32 $0xFFFFF800  }
0xad: {  	v0 =	vld [tilespmem:$0x18180];
	_ =	sdelay $0x1  }
0xae: {  	v1 =	vld [tilespmem:$0x18200];
	_ =	sdelay $0x1  }
0xaf: {  	v2 =	vld [tilespmem:$0x18280]  }
0xb0: {  	v0 =	vadd.f32 $0.0e+00, v0  }
0xb1: {  	v3 =	vld [tilespmem:$0x18300]  }
0xb2: {  	v0 =	vadd.f32 v1, v0  }
0xb3: {  	v42 =	vld [tilespmem:$0x18380]  }
0xb4: {  	v0 =	vadd.f32 v2, v0  }
0xb5: {  	v43 =	vld [tilespmem:$0x18400]  }
0xb6: {  	v0 =	vadd.f32 v3, v0  }
0xb7: {  	v44 =	vld [tilespmem:$0x18480]  }
0xb8: {  	v0 =	vadd.f32 v42, v0  }
0xb9: {  	v45 =	vld [tilespmem:$0x18500]  }
0xba: {  	v0 =	vadd.f32 v43, v0  }
0xbb: {  	v46 =	vld [tilespmem:$0x18580]  }
0xbc: {  	v0 =	vadd.f32 v44, v0  }
0xbd: {  	v47 =	vld [tilespmem:$0x18600]  }
0xbe: {  	v0 =	vadd.f32 v45, v0  }
0xbf: {  	v48 =	vld [tilespmem:$0x18680]  }
0xc0: {  	v0 =	vadd.f32 v46, v0  }
0xc1: {  	v49 =	vld [tilespmem:$0x18700]  }
0xc2: {  	v0 =	vadd.f32 v47, v0  }
0xc3: {  	v50 =	vld [tilespmem:$0x18780]  }
0xc4: {  	v0 =	vadd.f32 v48, v0  }
0xc5: {  	v51 =	vld [tilespmem:$0x18800]  }
0xc6: {  	v0 =	vadd.f32 v49, v0  }
0xc7: {  	v4 =	vimm.s32 $0xFEDCBA98;
	v52 =	vld [tilespmem:$0x18880]  }
0xc8: {  	v54 =	vimm.s32 $0x76543210;
	v4 =	vunpack.c.l.s4.s8 v4;
	v0 =	vadd.f32 v50, v0  }
0xc9: {  	v53 =	vld [tilespmem:$0x18900];
	v1 =	vunpack.c.l.s4.s8 v54  }
0xca: {  	v55 =	vunpack.c.0.s8.s32 v4;
	v0 =	vadd.f32 v51, v0  }
0xcb: {  	v56 =	vimm.s32 $0xBA98FEDC;
	v1 =	vunpack.c.0.s8.s32 v1  }
0xcc: {  	v57 =	vimm.s32 $0x32107654;
	v2 =	vand.u32 $0xF, v55;
	v0 =	vadd.f32 v52, v0  }
0xcd: {  	v1 =	vcombine.low v2, v1;
	v2 =	vunpack.c.l.s4.s8 v56;
	v3 =	vunpack.c.l.s4.s8 v57  }
0xce: {  	v0 =	vadd.f32 v53, v0  }
0xcf: {  	v2 =	vunpack.c.0.s8.s32 v2;
	v3 =	vunpack.c.0.s8.s32 v3  }
0xd0: {  	v1 =	vperm.xlane v0, v1  }
0xd1: {  	v59 =	vimm.s32 $0xDCFE98BA;
	v60 =	vimm.s32 $0x54761032;
	v58 =	vcombine.low v3, v2  }
0xd2: {  	v2 =	vunpack.c.l.s4.s8 v59;
	v3 =	vunpack.c.l.s4.s8 v60;
	v0 =	vadd.f32 v1, v0  }
0xd3: {  	v62 =	vimm.s32 $0x67452301  }
0xd4: {  	v2 =	vunpack.c.0.s8.s32 v2;
	v3 =	vunpack.c.0.s8.s32 v3;
	v1 =	vperm.xlane v0, v58  }
0xd5: {  	v61 =	vimm.s32 $0xEFCDAB89;
	v63 =	vunpack.c.l.s4.s8 v62  }
0xd6: {  	v2 =	vcombine.low v3, v2;
	v0 =	vadd.f32 v1, v0;
	v1 =	vunpack.c.l.s4.s8 v61;
	_ =	sdelay $0x1  }
0xd7: {  	v3 =	vunpack.c.0.s8.s32 v63;
	v2 =	vperm.xlane v0, v2;
	v1 =	vunpack.c.0.s8.s32 v1;
	_ =	sdelay $0x1  }
0xd8: {  	v0 =	vadd.f32 v2, v0;
	v1 =	vcombine.low v3, v1;
	_ =	sdelay $0x1  }
0xd9: {  	v1 =	vperm.xlane v0, v1;
	_ =	sdelay $0x1  }
0xda: {  	v0 =	vadd.f32 v1, v0;
	_ =	sdelay $0x1  }
0xdb: {  	v0 =	vmul.f32 $1.695421020e-06, v0;
	_ =	sdelay $0x1  }
0xdc: {  	s31 =	simm.s32 $0x0;
	[tilespmem:$0x18980] =	vst v0  }
0xdd: {  	[hbm4b:s1+s31] =	stream.linear.scatter [tilespmem:s5], [sflag:$0x2], $0x80, $0x38;
	[tilespmem:$0x1AA80] =	vst v63  }
0xde: {  	_ =	swait.ge [sflag:s4], $0x80  }
0xdf: {  	[sflag:s4] =	ssyncset.done $0x0  }
0xe0: {  	[sflag:s4] =	ssyncadd.s32 $0xFFFFFF80  }
0xe1: {  	_ =	sfence.sel $0x180000  }
0xe2: {  	[bflag:$0x0] =	sbarrier.arrive $0xFFFF  }
0xe3: {  	_ =	strace $0x90000047  }
0xe4: {  	s0 =	sadd.s32 $0x100000, s0;
	[bflag:$0x2] =	sbarrier.arrive $0xFFFF  }
0xe5: {  	[sflag:s0] =	ssyncadd.tile.s32 $0x1;
	_ =	shalt  }
.Lfunc_end2:
_tile_overlayer_lowered:
.L_overlay_start_2:
0xe6: {  	(tag) =	ssettag $0x2  }
0xe7: {  	s0 =	rddreg [dreg:$0x0];
	s2 =	stileid.u32  }
0xe8: {  	s1 =	rddreg [dreg:$0x1];
	p0 =	sne.s32 s2, $0x0  }
0xe9: {  	s3 =	rddreg [dreg:$0x2];
	[bflag:$0x3] =	sbarrier.arrive $0xFFFF;
	s2 =	simm.s32 @!p0 $0x1C02  }
0xea: {  	[timem:s3], [sflag:s2] =	dma.local @!p0 [hbm:s0], s1  }
0xeb: {  	s0 =	simm.s32 @!p0 $0x2  }
0xec: {  	_ =	swait.ge @!p0 [sflag:s0], s1  }
0xed: {  	s1 =	ssub.s32 @!p0 $0x0, s1;
	[sflag:s0] =	ssyncset.done @!p0 $0x0  }
0xee: {  	[sflag:s0] =	ssyncadd.s32 @!p0 s1  }
0xef: {  	[bflag:$0x3] =	sbarrier.arrive $0xFFFF  }
0xf0: {  	_ =	shalt  }

</sc_bundles>
